<compile_context>
chip_gen: v7x
topology: tpu7x:2x2x1
jax: 0.10.2.dev20260603
libtpu: 0.0.44.dev20260713+nightly
codegen_flags: <defaults>
</compile_context>

<pallas_src>
import functools

import jax
import jax.numpy as jnp
from jax import lax
from jax.experimental import pallas as pl
from jax.experimental.pallas import tpu as pltpu
from jax.experimental.pallas import tpu_sc as plsc

_NPOINT = 512
_B = 8
_N = 32768
_NC = 2
_NS = 16
_L = 16
_OB = 8

_NEG = -1e30


_RC = 32


@functools.lru_cache(maxsize=None)
def _build(npoint, n):
    chunks = n // _L

    def _fps_sc(pts_hbm, out_hbm, px, py, pz, dist, obuf):
        c = lax.axis_index("c")
        s = lax.axis_index("s")
        wid = c * _NS + s

        @pl.when(wid < _B)
        def _():
            b = wid
            row = b * 3
            pltpu.sync_copy(pts_hbm.at[pl.ds(row * n, n)], px)
            pltpu.sync_copy(pts_hbm.at[pl.ds((row + 1) * n, n)], py)
            pltpu.sync_copy(pts_hbm.at[pl.ds((row + 2) * n, n)], pz)

            ii = lax.iota(jnp.int32, _L)

            def init_chunk(k, carry):
                dist[pl.ds(k * _L, _L)] = jnp.full((_L,), 1e10, jnp.float32)
                return carry

            lax.fori_loop(0, chunks - _RC, init_chunk, 0)

            cx0 = px[pl.ds(0, _L)][0]
            cy0 = py[pl.ds(0, _L)][0]
            cz0 = pz[pl.ds(0, _L)][0]

            def it_body(i, carry):
                far_g, cx, cy, cz, dregs = carry

                plsc.store_scatter(
                    obuf,
                    [jnp.full((_L,), lax.rem(i, _OB), jnp.int32)],
                    jnp.full((_L,), far_g, jnp.int32),
                    mask=ii == 0,
                )

                cxv = jnp.full((_L,), cx)
                cyv = jnp.full((_L,), cy)
                czv = jnp.full((_L,), cz)

                m = None
                midx = None
                ndregs = []
                for k in range(_RC):
                    sl = pl.ds(k * _L, _L)
                    dx = px[sl] - cxv
                    dy = py[sl] - cyv
                    dz = pz[sl] - czv
                    d = dx * dx + dy * dy + dz * dz
                    dn = jnp.minimum(dregs[k], d)
                    ndregs.append(dn)
                    if k == 0:
                        m = dn
                        midx = ii
                    else:
                        upd = dn > m
                        m = jnp.where(upd, dn, m)
                        midx = jnp.where(upd, k * _L + ii, midx)
                ndregs = tuple(ndregs)

                def chunk(k, mcarry):
                    mm, mi = mcarry
                    sl = pl.ds(k * _L, _L)
                    ddx = px[sl] - cxv
                    ddy = py[sl] - cyv
                    ddz = pz[sl] - czv
                    dd = ddx * ddx + ddy * ddy + ddz * ddz
                    dsl = pl.ds((k - _RC) * _L, _L)
                    dn = jnp.minimum(dist[dsl], dd)
                    dist[dsl] = dn
                    upd = dn > mm
                    mm = jnp.where(upd, dn, mm)
                    mi = jnp.where(upd, k * _L + ii, mi)
                    return (mm, mi)

                m, midx = lax.fori_loop(_RC, chunks, chunk, (m, midx))

                maxv = m[0]
                wloc = midx[0]
                for j in range(1, _L):
                    vj = m[j]
                    ij = midx[j]
                    better = (vj > maxv) | ((vj == maxv) & (ij < wloc))
                    maxv = jnp.where(better, vj, maxv)
                    wloc = jnp.where(better, ij, wloc)

                ivec = jnp.full((_L,), wloc, jnp.int32)
                gx = plsc.load_gather(px, [ivec])[0]
                gy = plsc.load_gather(py, [ivec])[0]
                gz = plsc.load_gather(pz, [ivec])[0]

                @pl.when(lax.rem(i, _OB) == _OB - 1)
                def _():
                    off = pl.multiple_of(b * npoint + (i - (_OB - 1)), _OB)
                    pltpu.sync_copy(obuf, out_hbm.at[pl.ds(off, _OB)])

                return (wloc, gx, gy, gz, ndregs)

            carry0 = (jnp.int32(0), cx0, cy0, cz0,
                      tuple(jnp.full((_L,), 1e10, jnp.float32)
                            for _ in range(_RC)))
            lax.fori_loop(0, npoint, it_body, carry0)

    return functools.partial(
        pl.kernel,
        out_type=jax.ShapeDtypeStruct((_B * npoint,), jnp.int32),
        compiler_params=pltpu.CompilerParams(needs_layout_passes=False),
        mesh=plsc.VectorSubcoreMesh(
            core_axis_name="c", subcore_axis_name="s",
            num_cores=_NC, num_subcores=_NS,
        ),
        scratch_types=[
            pltpu.VMEM((n,), jnp.float32),
            pltpu.VMEM((n,), jnp.float32),
            pltpu.VMEM((n,), jnp.float32),
            pltpu.VMEM((n - _RC * _L,), jnp.float32),
            pltpu.VMEM((_OB,), jnp.int32),
        ],
    )(_fps_sc)


def kernel(points, features, npoint):
    del features, npoint
    B, N, _ = points.shape
    pts_t = jnp.transpose(points, (0, 2, 1)).reshape(-1)
    return _build(_NPOINT, N)(pts_t).reshape(B, _NPOINT)

# --- scband reference (transcript-rebuilt; emitter-appended) ---
"""Pipeline reference for scband-dfpssampler-23845658427862 (READ-ONLY COPY).

The authoritative reference and input builder live on the scoring server;
editing this copy changes nothing except your own understanding.
"""

import jax, jax.numpy as jnp
import numpy as np


def furthest_point_sample(points, npoint):
    # points: (B, N, 3) float32. Returns int32 indices (B, npoint).
    # Faithful to the standard CUDA furthest_point_sample: start from index 0,
    # maintain running min squared-distance to the selected set, pick argmax.
    B, N, _ = points.shape
    npoint_static = 512

    def body(i, state):
        dist, farthest, idxs = state
        idxs = idxs.at[:, i].set(farthest)
        centroid = points[jnp.arange(B), farthest]  # (B, 3) gather
        d = jnp.sum((points - centroid[:, None, :]) ** 2, axis=-1)  # (B, N)
        dist = jnp.minimum(dist, d)
        farthest = jnp.argmax(dist, axis=-1).astype(jnp.int32)
        return (dist, farthest, idxs)

    dist0 = jnp.full((B, N), 1e10, dtype=points.dtype)
    far0 = jnp.broadcast_to(jnp.asarray(npoint, dtype=jnp.int32) * 0, (B,))
    idxs0 = jnp.zeros((B, npoint_static), dtype=jnp.int32)
    _, _, idxs = jax.lax.fori_loop(0, npoint_static, body, (dist0, far0, idxs0))
    return idxs


def setup_inputs(seed: int = 0) -> dict:
    key = jax.random.key(seed)
    k1, k2 = jax.random.split(key)
    points = jax.random.normal(k1, (8, 32768, 3), dtype=jnp.float32)
    features = jax.random.normal(k2, (8, 64, 32768), dtype=jnp.float32)
    return {"points": points, "features": features, "npoint": 512}


def reference(points, features, npoint):
    # DFPSSampler.forward: features are ignored; D-FPS uses Euclidean distances only.
    fps_idx = furthest_point_sample(points, npoint)
    return fps_idx

if __name__ == "__main__":
    import jax
    _d = setup_inputs()
    print(jax.jit(kernel)(*tuple(_d.values())))

</pallas_src>

<mosaic_0001>
#map = affine_map<(d0, d1) -> (0)>
module attributes {stable_mosaic.version = 14 : i64} {
  func.func @_fps_sc(%arg0: i32, %arg1: i32, %arg2: memref<786432xf32, #tpu.memory_space<hbm>>, %arg3: memref<4096xi32, #tpu.memory_space<hbm>>, %arg4: memref<32768xf32, #tpu.memory_space<vmem>>, %arg5: memref<32768xf32, #tpu.memory_space<vmem>>, %arg6: memref<32768xf32, #tpu.memory_space<vmem>>, %arg7: memref<32256xf32, #tpu.memory_space<vmem>>, %arg8: memref<8xi32, #tpu.memory_space<vmem>>) attributes {dimension_semantics = [#tpu.dimension_semantics<core_parallel>, #tpu.dimension_semantics<subcore_parallel>], iteration_bounds = array<i64: 2, 16>, scalar_prefetch = 0 : i64, scratch_operands = 5 : i64, tpu.core_type = #tpu.core_type<sc_vector_subcore>, window_params = [{transform_indices = #map}, {transform_indices = #map}]} {
    %mul3A = arith.constant 16 : i32
    %mul3A_0 = arith.muli %arg0, %mul3A : i32
    %add3A = arith.addi %mul3A_0, %arg1 : i32
    %lt3A = arith.constant 8 : i32
    %lt3A_1 = arith.cmpi slt, %add3A, %lt3A : i32
    %convert_element_type3A = arith.extui %lt3A_1 : i1 to i32
    %cond3A = arith.constant 0 : i32
    %cond3A_2 = arith.cmpi ne, %convert_element_type3A, %cond3A : i32
    scf.if %cond3A_2 {
      %mul3A_3 = arith.constant 3 : i32
      %mul3A_4 = arith.muli %add3A, %mul3A_3 : i32
      %mul3A_5 = arith.constant 32768 : i32
      %mul3A_6 = arith.muli %mul3A_4, %mul3A_5 : i32
      "tpu.region"() ({
        %run_scoped3A = tpu.sem_alloc : memref<!tpu.dma_semaphore, #tpu.memory_space<semaphore_mem>>
        %dma_start3A = tpu.memref_slice %arg2[%mul3A_6] : memref<786432xf32, #tpu.memory_space<hbm>> -> memref<32768xf32, #tpu.memory_space<hbm>>
        %dma_start3A_99 = tpu.memref_slice %arg2[%mul3A_6] : memref<786432xf32, #tpu.memory_space<hbm>> -> memref<32768xf32, #tpu.memory_space<hbm>>
        tpu.enqueue_dma source(%dma_start3A_99 : memref<32768xf32, #tpu.memory_space<hbm>>) target(%arg4 : memref<32768xf32, #tpu.memory_space<vmem>>) target_semaphore(%run_scoped3A : memref<!tpu.dma_semaphore, #tpu.memory_space<semaphore_mem>>)
        %dma_wait3A = tpu.memref_slice %arg2[%mul3A_6] : memref<786432xf32, #tpu.memory_space<hbm>> -> memref<32768xf32, #tpu.memory_space<hbm>>
        %dma_wait3A_100 = tpu.memref_slice %arg2[%mul3A_6] : memref<786432xf32, #tpu.memory_space<hbm>> -> memref<32768xf32, #tpu.memory_space<hbm>>
        tpu.wait_dma2 semaphore(%run_scoped3A : memref<!tpu.dma_semaphore, #tpu.memory_space<semaphore_mem>>) src(%dma_wait3A_100 : memref<32768xf32, #tpu.memory_space<hbm>>) dst(%arg4 : memref<32768xf32, #tpu.memory_space<vmem>>)
        tpu.yield
      }) : () -> ()
      %add3A_7 = arith.constant 1 : i32
      %add3A_8 = arith.addi %mul3A_4, %add3A_7 : i32
      %mul3A_9 = arith.constant 32768 : i32
      %mul3A_10 = arith.muli %add3A_8, %mul3A_9 : i32
      "tpu.region"() ({
        %run_scoped3A = tpu.sem_alloc : memref<!tpu.dma_semaphore, #tpu.memory_space<semaphore_mem>>
        %dma_start3A = tpu.memref_slice %arg2[%mul3A_10] : memref<786432xf32, #tpu.memory_space<hbm>> -> memref<32768xf32, #tpu.memory_space<hbm>>
        %dma_start3A_99 = tpu.memref_slice %arg2[%mul3A_10] : memref<786432xf32, #tpu.memory_space<hbm>> -> memref<32768xf32, #tpu.memory_space<hbm>>
        tpu.enqueue_dma source(%dma_start3A_99 : memref<32768xf32, #tpu.memory_space<hbm>>) target(%arg5 : memref<32768xf32, #tpu.memory_space<vmem>>) target_semaphore(%run_scoped3A : memref<!tpu.dma_semaphore, #tpu.memory_space<semaphore_mem>>)
        %dma_wait3A = tpu.memref_slice %arg2[%mul3A_10] : memref<786432xf32, #tpu.memory_space<hbm>> -> memref<32768xf32, #tpu.memory_space<hbm>>
        %dma_wait3A_100 = tpu.memref_slice %arg2[%mul3A_10] : memref<786432xf32, #tpu.memory_space<hbm>> -> memref<32768xf32, #tpu.memory_space<hbm>>
        tpu.wait_dma2 semaphore(%run_scoped3A : memref<!tpu.dma_semaphore, #tpu.memory_space<semaphore_mem>>) src(%dma_wait3A_100 : memref<32768xf32, #tpu.memory_space<hbm>>) dst(%arg5 : memref<32768xf32, #tpu.memory_space<vmem>>)
        tpu.yield
      }) : () -> ()
      %add3A_11 = arith.constant 2 : i32
      %add3A_12 = arith.addi %mul3A_4, %add3A_11 : i32
      %mul3A_13 = arith.constant 32768 : i32
      %mul3A_14 = arith.muli %add3A_12, %mul3A_13 : i32
      "tpu.region"() ({
        %run_scoped3A = tpu.sem_alloc : memref<!tpu.dma_semaphore, #tpu.memory_space<semaphore_mem>>
        %dma_start3A = tpu.memref_slice %arg2[%mul3A_14] : memref<786432xf32, #tpu.memory_space<hbm>> -> memref<32768xf32, #tpu.memory_space<hbm>>
        %dma_start3A_99 = tpu.memref_slice %arg2[%mul3A_14] : memref<786432xf32, #tpu.memory_space<hbm>> -> memref<32768xf32, #tpu.memory_space<hbm>>
        tpu.enqueue_dma source(%dma_start3A_99 : memref<32768xf32, #tpu.memory_space<hbm>>) target(%arg6 : memref<32768xf32, #tpu.memory_space<vmem>>) target_semaphore(%run_scoped3A : memref<!tpu.dma_semaphore, #tpu.memory_space<semaphore_mem>>)
        %dma_wait3A = tpu.memref_slice %arg2[%mul3A_14] : memref<786432xf32, #tpu.memory_space<hbm>> -> memref<32768xf32, #tpu.memory_space<hbm>>
        %dma_wait3A_100 = tpu.memref_slice %arg2[%mul3A_14] : memref<786432xf32, #tpu.memory_space<hbm>> -> memref<32768xf32, #tpu.memory_space<hbm>>
        tpu.wait_dma2 semaphore(%run_scoped3A : memref<!tpu.dma_semaphore, #tpu.memory_space<semaphore_mem>>) src(%dma_wait3A_100 : memref<32768xf32, #tpu.memory_space<hbm>>) dst(%arg6 : memref<32768xf32, #tpu.memory_space<vmem>>)
        tpu.yield
      }) : () -> ()
      %iota3A = tpu.iota {dimensions = array<i32: 0>} : vector<16xi32>
      %scan3A = arith.constant 0 : i32
      %scan3A_15 = arith.constant 0 : i32
      %scan3A_16 = arith.constant 2016 : i32
      %scan3A_17 = arith.addi %scan3A_15, %scan3A_16 : i32
      %scan3A_18 = arith.constant 1 : i32
      scf.for %scan3A_99 = %scan3A_15 to %scan3A_17 step %scan3A_18  : i32 {
        %broadcast_in_dim3A_100 = arith.constant 1.000000e+10 : f32
        %broadcast_in_dim3A_101 = vector.broadcast %broadcast_in_dim3A_100 : f32 to vector<16xf32>
        %mul3A_102 = arith.constant 16 : i32
        %mul3A_103 = arith.muli %scan3A_99, %mul3A_102 : i32
        %swap3A = arith.index_cast %mul3A_103 : i32 to index
        %swap3A_104 = tpu.vector_load %arg7[%swap3A] {strides = array<i32>} : memref<32256xf32, #tpu.memory_space<vmem>>, vector<16xf32>,
        tpu.vector_store %arg7[%swap3A], %broadcast_in_dim3A_101 {strides = array<i32>} : memref<32256xf32, #tpu.memory_space<vmem>>, vector<16xf32>,
      }
      %scan3A_19 = arith.constant 2016 : i32
      %get3A = arith.constant 0 : index
      %get3A_20 = tpu.vector_load %arg4[%get3A] {strides = array<i32>} : memref<32768xf32, #tpu.memory_space<vmem>>, vector<16xf32>,
      %slice3A = vector.extract_strided_slice %get3A_20 {offsets = [0], sizes = [1], strides = [1]} : vector<16xf32> to vector<1xf32>
      %squeeze3A = vector.extract %slice3A[0] : f32 from vector<1xf32>
      %get3A_21 = arith.constant 0 : index
      %get3A_22 = tpu.vector_load %arg5[%get3A_21] {strides = array<i32>} : memref<32768xf32, #tpu.memory_space<vmem>>, vector<16xf32>,
      %slice3A_23 = vector.extract_strided_slice %get3A_22 {offsets = [0], sizes = [1], strides = [1]} : vector<16xf32> to vector<1xf32>
      %squeeze3A_24 = vector.extract %slice3A_23[0] : f32 from vector<1xf32>
      %get3A_25 = arith.constant 0 : index
      %get3A_26 = tpu.vector_load %arg6[%get3A_25] {strides = array<i32>} : memref<32768xf32, #tpu.memory_space<vmem>>, vector<16xf32>,
      %slice3A_27 = vector.extract_strided_slice %get3A_26 {offsets = [0], sizes = [1], strides = [1]} : vector<16xf32> to vector<1xf32>
      %squeeze3A_28 = vector.extract %slice3A_27[0] : f32 from vector<1xf32>
      %broadcast_in_dim3A = arith.constant 1.000000e+10 : f32
      %broadcast_in_dim3A_29 = vector.broadcast %broadcast_in_dim3A : f32 to vector<16xf32>
      %broadcast_in_dim3A_30 = arith.constant 1.000000e+10 : f32
      %broadcast_in_dim3A_31 = vector.broadcast %broadcast_in_dim3A_30 : f32 to vector<16xf32>
      %broadcast_in_dim3A_32 = arith.constant 1.000000e+10 : f32
      %broadcast_in_dim3A_33 = vector.broadcast %broadcast_in_dim3A_32 : f32 to vector<16xf32>
      %broadcast_in_dim3A_34 = arith.constant 1.000000e+10 : f32
      %broadcast_in_dim3A_35 = vector.broadcast %broadcast_in_dim3A_34 : f32 to vector<16xf32>
      %broadcast_in_dim3A_36 = arith.constant 1.000000e+10 : f32
      %broadcast_in_dim3A_37 = vector.broadcast %broadcast_in_dim3A_36 : f32 to vector<16xf32>
      %broadcast_in_dim3A_38 = arith.constant 1.000000e+10 : f32
      %broadcast_in_dim3A_39 = vector.broadcast %broadcast_in_dim3A_38 : f32 to vector<16xf32>
      %broadcast_in_dim3A_40 = arith.constant 1.000000e+10 : f32
      %broadcast_in_dim3A_41 = vector.broadcast %broadcast_in_dim3A_40 : f32 to vector<16xf32>
      %broadcast_in_dim3A_42 = arith.constant 1.000000e+10 : f32
      %broadcast_in_dim3A_43 = vector.broadcast %broadcast_in_dim3A_42 : f32 to vector<16xf32>
      %broadcast_in_dim3A_44 = arith.constant 1.000000e+10 : f32
      %broadcast_in_dim3A_45 = vector.broadcast %broadcast_in_dim3A_44 : f32 to vector<16xf32>
      %broadcast_in_dim3A_46 = arith.constant 1.000000e+10 : f32
      %broadcast_in_dim3A_47 = vector.broadcast %broadcast_in_dim3A_46 : f32 to vector<16xf32>
      %broadcast_in_dim3A_48 = arith.constant 1.000000e+10 : f32
      %broadcast_in_dim3A_49 = vector.broadcast %broadcast_in_dim3A_48 : f32 to vector<16xf32>
      %broadcast_in_dim3A_50 = arith.constant 1.000000e+10 : f32
      %broadcast_in_dim3A_51 = vector.broadcast %broadcast_in_dim3A_50 : f32 to vector<16xf32>
      %broadcast_in_dim3A_52 = arith.constant 1.000000e+10 : f32
      %broadcast_in_dim3A_53 = vector.broadcast %broadcast_in_dim3A_52 : f32 to vector<16xf32>
      %broadcast_in_dim3A_54 = arith.constant 1.000000e+10 : f32
      %broadcast_in_dim3A_55 = vector.broadcast %broadcast_in_dim3A_54 : f32 to vector<16xf32>
      %broadcast_in_dim3A_56 = arith.constant 1.000000e+10 : f32
      %broadcast_in_dim3A_57 = vector.broadcast %broadcast_in_dim3A_56 : f32 to vector<16xf32>
      %broadcast_in_dim3A_58 = arith.constant 1.000000e+10 : f32
      %broadcast_in_dim3A_59 = vector.broadcast %broadcast_in_dim3A_58 : f32 to vector<16xf32>
      %broadcast_in_dim3A_60 = arith.constant 1.000000e+10 : f32
      %broadcast_in_dim3A_61 = vector.broadcast %broadcast_in_dim3A_60 : f32 to vector<16xf32>
      %broadcast_in_dim3A_62 = arith.constant 1.000000e+10 : f32
      %broadcast_in_dim3A_63 = vector.broadcast %broadcast_in_dim3A_62 : f32 to vector<16xf32>
      %broadcast_in_dim3A_64 = arith.constant 1.000000e+10 : f32
      %broadcast_in_dim3A_65 = vector.broadcast %broadcast_in_dim3A_64 : f32 to vector<16xf32>
      %broadcast_in_dim3A_66 = arith.constant 1.000000e+10 : f32
      %broadcast_in_dim3A_67 = vector.broadcast %broadcast_in_dim3A_66 : f32 to vector<16xf32>
      %broadcast_in_dim3A_68 = arith.constant 1.000000e+10 : f32
      %broadcast_in_dim3A_69 = vector.broadcast %broadcast_in_dim3A_68 : f32 to vector<16xf32>
      %broadcast_in_dim3A_70 = arith.constant 1.000000e+10 : f32
      %broadcast_in_dim3A_71 = vector.broadcast %broadcast_in_dim3A_70 : f32 to vector<16xf32>
      %broadcast_in_dim3A_72 = arith.constant 1.000000e+10 : f32
      %broadcast_in_dim3A_73 = vector.broadcast %broadcast_in_dim3A_72 : f32 to vector<16xf32>
      %broadcast_in_dim3A_74 = arith.constant 1.000000e+10 : f32
      %broadcast_in_dim3A_75 = vector.broadcast %broadcast_in_dim3A_74 : f32 to vector<16xf32>
      %broadcast_in_dim3A_76 = arith.constant 1.000000e+10 : f32
      %broadcast_in_dim3A_77 = vector.broadcast %broadcast_in_dim3A_76 : f32 to vector<16xf32>
      %broadcast_in_dim3A_78 = arith.constant 1.000000e+10 : f32
      %broadcast_in_dim3A_79 = vector.broadcast %broadcast_in_dim3A_78 : f32 to vector<16xf32>
      %broadcast_in_dim3A_80 = arith.constant 1.000000e+10 : f32
      %broadcast_in_dim3A_81 = vector.broadcast %broadcast_in_dim3A_80 : f32 to vector<16xf32>
      %broadcast_in_dim3A_82 = arith.constant 1.000000e+10 : f32
      %broadcast_in_dim3A_83 = vector.broadcast %broadcast_in_dim3A_82 : f32 to vector<16xf32>
      %broadcast_in_dim3A_84 = arith.constant 1.000000e+10 : f32
      %broadcast_in_dim3A_85 = vector.broadcast %broadcast_in_dim3A_84 : f32 to vector<16xf32>
      %broadcast_in_dim3A_86 = arith.constant 1.000000e+10 : f32
      %broadcast_in_dim3A_87 = vector.broadcast %broadcast_in_dim3A_86 : f32 to vector<16xf32>
      %broadcast_in_dim3A_88 = arith.constant 1.000000e+10 : f32
      %broadcast_in_dim3A_89 = vector.broadcast %broadcast_in_dim3A_88 : f32 to vector<16xf32>
      %broadcast_in_dim3A_90 = arith.constant 1.000000e+10 : f32
      %broadcast_in_dim3A_91 = vector.broadcast %broadcast_in_dim3A_90 : f32 to vector<16xf32>
      %scan3A_92 = arith.constant 0 : i32
      %scan3A_93 = arith.constant 0 : i32
      %scan3A_94 = arith.constant 512 : i32
      %scan3A_95 = arith.addi %scan3A_93, %scan3A_94 : i32
      %scan3A_96 = arith.constant 1 : i32
      %scan3A_97:36 = scf.for %scan3A_99 = %scan3A_93 to %scan3A_95 step %scan3A_96 iter_args(%scan3A_100 = %scan3A_92, %scan3A_101 = %squeeze3A, %scan3A_102 = %squeeze3A_24, %scan3A_103 = %squeeze3A_28, %scan3A_104 = %broadcast_in_dim3A_29, %scan3A_105 = %broadcast_in_dim3A_31, %scan3A_106 = %broadcast_in_dim3A_33, %scan3A_107 = %broadcast_in_dim3A_35, %scan3A_108 = %broadcast_in_dim3A_37, %scan3A_109 = %broadcast_in_dim3A_39, %scan3A_110 = %broadcast_in_dim3A_41, %scan3A_111 = %broadcast_in_dim3A_43, %scan3A_112 = %broadcast_in_dim3A_45, %scan3A_113 = %broadcast_in_dim3A_47, %scan3A_114 = %broadcast_in_dim3A_49, %scan3A_115 = %broadcast_in_dim3A_51, %scan3A_116 = %broadcast_in_dim3A_53, %scan3A_117 = %broadcast_in_dim3A_55, %scan3A_118 = %broadcast_in_dim3A_57, %scan3A_119 = %broadcast_in_dim3A_59, %scan3A_120 = %broadcast_in_dim3A_61, %scan3A_121 = %broadcast_in_dim3A_63, %scan3A_122 = %broadcast_in_dim3A_65, %scan3A_123 = %broadcast_in_dim3A_67, %scan3A_124 = %broadcast_in_dim3A_69, %scan3A_125 = %broadcast_in_dim3A_71, %scan3A_126 = %broadcast_in_dim3A_73, %scan3A_127 = %broadcast_in_dim3A_75, %scan3A_128 = %broadcast_in_dim3A_77, %scan3A_129 = %broadcast_in_dim3A_79, %scan3A_130 = %broadcast_in_dim3A_81, %scan3A_131 = %broadcast_in_dim3A_83, %scan3A_132 = %broadcast_in_dim3A_85, %scan3A_133 = %broadcast_in_dim3A_87, %scan3A_134 = %broadcast_in_dim3A_89, %scan3A_135 = %broadcast_in_dim3A_91) -> (i32, f32, f32, f32, vector<16xf32>, vector<16xf32>, vector<16xf32>, vector<16xf32>, vector<16xf32>, vector<16xf32>, vector<16xf32>, vector<16xf32>, vector<16xf32>, vector<16xf32>, vector<16xf32>, vector<16xf32>, vector<16xf32>, vector<16xf32>, vector<16xf32>, vector<16xf32>, vector<16xf32>, vector<16xf32>, vector<16xf32>, vector<16xf32>, vector<16xf32>, vector<16xf32>, vector<16xf32>, vector<16xf32>, vector<16xf32>, vector<16xf32>, vector<16xf32>, vector<16xf32>, vector<16xf32>, vector<16xf32>, vector<16xf32>, vector<16xf32>)  : i32 {
        %rem3A = arith.constant 8 : i32
        %rem3A_136 = arith.remsi %scan3A_99, %rem3A : i32
        %broadcast_in_dim3A_137 = vector.broadcast %rem3A_136 : i32 to vector<16xi32>
        %broadcast_in_dim3A_138 = vector.broadcast %scan3A_100 : i32 to vector<16xi32>
        %eq3A = arith.constant 0 : i32
        %eq3A_139 = vector.broadcast %eq3A : i32 to vector<16xi32>
        %eq3A_140 = arith.cmpi eq, %iota3A, %eq3A_139 : vector<16xi32>
        tpu.vector_store_idx %arg8[%broadcast_in_dim3A_137], %broadcast_in_dim3A_138 masked %eq3A_140 : memref<8xi32, #tpu.memory_space<vmem>>[vector<16xi32>], vector<16xi32>, vector<16xi1>
        %broadcast_in_dim3A_141 = vector.broadcast %scan3A_101 : f32 to vector<16xf32>
        %broadcast_in_dim3A_142 = vector.broadcast %scan3A_102 : f32 to vector<16xf32>
        %broadcast_in_dim3A_143 = vector.broadcast %scan3A_103 : f32 to vector<16xf32>
        %get3A_144 = arith.constant 0 : index
        %get3A_145 = tpu.vector_load %arg4[%get3A_144] {strides = array<i32>} : memref<32768xf32, #tpu.memory_space<vmem>>, vector<16xf32>,
        %sub3A = arith.subf %get3A_145, %broadcast_in_dim3A_141 : vector<16xf32>
        %get3A_146 = arith.constant 0 : index
        %get3A_147 = tpu.vector_load %arg5[%get3A_146] {strides = array<i32>} : memref<32768xf32, #tpu.memory_space<vmem>>, vector<16xf32>,
        %sub3A_148 = arith.subf %get3A_147, %broadcast_in_dim3A_142 : vector<16xf32>
        %get3A_149 = arith.constant 0 : index
        %get3A_150 = tpu.vector_load %arg6[%get3A_149] {strides = array<i32>} : memref<32768xf32, #tpu.memory_space<vmem>>, vector<16xf32>,
        %sub3A_151 = arith.subf %get3A_150, %broadcast_in_dim3A_143 : vector<16xf32>
        %mul3A_152 = arith.mulf %sub3A, %sub3A : vector<16xf32>
        %mul3A_153 = arith.mulf %sub3A_148, %sub3A_148 : vector<16xf32>
        %add3A_154 = arith.addf %mul3A_152, %mul3A_153 : vector<16xf32>
        %mul3A_155 = arith.mulf %sub3A_151, %sub3A_151 : vector<16xf32>
        %add3A_156 = arith.addf %add3A_154, %mul3A_155 : vector<16xf32>
        %min3A = arith.minimumf %scan3A_104, %add3A_156 : vector<16xf32>
        %get3A_157 = arith.constant 16 : index
        %get3A_158 = tpu.vector_load %arg4[%get3A_157] {strides = array<i32>} : memref<32768xf32, #tpu.memory_space<vmem>>, vector<16xf32>,
        %sub3A_159 = arith.subf %get3A_158, %broadcast_in_dim3A_141 : vector<16xf32>
        %get3A_160 = arith.constant 16 : index
        %get3A_161 = tpu.vector_load %arg5[%get3A_160] {strides = array<i32>} : memref<32768xf32, #tpu.memory_space<vmem>>, vector<16xf32>,
        %sub3A_162 = arith.subf %get3A_161, %broadcast_in_dim3A_142 : vector<16xf32>
        %get3A_163 = arith.constant 16 : index
        %get3A_164 = tpu.vector_load %arg6[%get3A_163] {strides = array<i32>} : memref<32768xf32, #tpu.memory_space<vmem>>, vector<16xf32>,
        %sub3A_165 = arith.subf %get3A_164, %broadcast_in_dim3A_143 : vector<16xf32>
        %mul3A_166 = arith.mulf %sub3A_159, %sub3A_159 : vector<16xf32>
        %mul3A_167 = arith.mulf %sub3A_162, %sub3A_162 : vector<16xf32>
        %add3A_168 = arith.addf %mul3A_166, %mul3A_167 : vector<16xf32>
        %mul3A_169 = arith.mulf %sub3A_165, %sub3A_165 : vector<16xf32>
        %add3A_170 = arith.addf %add3A_168, %mul3A_169 : vector<16xf32>
        %min3A_171 = arith.minimumf %scan3A_105, %add3A_170 : vector<16xf32>
        %gt3A = arith.cmpf ogt, %min3A_171, %min3A : vector<16xf32>
        %select_n3A = arith.select %gt3A, %min3A_171, %min3A : vector<16xi1>, vector<16xf32>
        %add3A_172 = arith.constant 16 : i32
        %add3A_173 = vector.broadcast %add3A_172 : i32 to vector<16xi32>
        %add3A_174 = arith.addi %add3A_173, %iota3A : vector<16xi32>
        %select_n3A_175 = arith.select %gt3A, %add3A_174, %iota3A : vector<16xi1>, vector<16xi32>
        %get3A_176 = arith.constant 32 : index
        %get3A_177 = tpu.vector_load %arg4[%get3A_176] {strides = array<i32>} : memref<32768xf32, #tpu.memory_space<vmem>>, vector<16xf32>,
        %sub3A_178 = arith.subf %get3A_177, %broadcast_in_dim3A_141 : vector<16xf32>
        %get3A_179 = arith.constant 32 : index
        %get3A_180 = tpu.vector_load %arg5[%get3A_179] {strides = array<i32>} : memref<32768xf32, #tpu.memory_space<vmem>>, vector<16xf32>,
        %sub3A_181 = arith.subf %get3A_180, %broadcast_in_dim3A_142 : vector<16xf32>
        %get3A_182 = arith.constant 32 : index
        %get3A_183 = tpu.vector_load %arg6[%get3A_182] {strides = array<i32>} : memref<32768xf32, #tpu.memory_space<vmem>>, vector<16xf32>,
        %sub3A_184 = arith.subf %get3A_183, %broadcast_in_dim3A_143 : vector<16xf32>
        %mul3A_185 = arith.mulf %sub3A_178, %sub3A_178 : vector<16xf32>
        %mul3A_186 = arith.mulf %sub3A_181, %sub3A_181 : vector<16xf32>
        %add3A_187 = arith.addf %mul3A_185, %mul3A_186 : vector<16xf32>
        %mul3A_188 = arith.mulf %sub3A_184, %sub3A_184 : vector<16xf32>
        %add3A_189 = arith.addf %add3A_187, %mul3A_188 : vector<16xf32>
        %min3A_190 = arith.minimumf %scan3A_106, %add3A_189 : vector<16xf32>
        %gt3A_191 = arith.cmpf ogt, %min3A_190, %select_n3A : vector<16xf32>
        %select_n3A_192 = arith.select %gt3A_191, %min3A_190, %select_n3A : vector<16xi1>, vector<16xf32>
        %add3A_193 = arith.constant 32 : i32
        %add3A_194 = vector.broadcast %add3A_193 : i32 to vector<16xi32>
        %add3A_195 = arith.addi %add3A_194, %iota3A : vector<16xi32>
        %select_n3A_196 = arith.select %gt3A_191, %add3A_195, %select_n3A_175 : vector<16xi1>, vector<16xi32>
        %get3A_197 = arith.constant 48 : index
        %get3A_198 = tpu.vector_load %arg4[%get3A_197] {strides = array<i32>} : memref<32768xf32, #tpu.memory_space<vmem>>, vector<16xf32>,
        %sub3A_199 = arith.subf %get3A_198, %broadcast_in_dim3A_141 : vector<16xf32>
        %get3A_200 = arith.constant 48 : index
        %get3A_201 = tpu.vector_load %arg5[%get3A_200] {strides = array<i32>} : memref<32768xf32, #tpu.memory_space<vmem>>, vector<16xf32>,
        %sub3A_202 = arith.subf %get3A_201, %broadcast_in_dim3A_142 : vector<16xf32>
        %get3A_203 = arith.constant 48 : index
        %get3A_204 = tpu.vector_load %arg6[%get3A_203] {strides = array<i32>} : memref<32768xf32, #tpu.memory_space<vmem>>, vector<16xf32>,
        %sub3A_205 = arith.subf %get3A_204, %broadcast_in_dim3A_143 : vector<16xf32>
        %mul3A_206 = arith.mulf %sub3A_199, %sub3A_199 : vector<16xf32>
        %mul3A_207 = arith.mulf %sub3A_202, %sub3A_202 : vector<16xf32>
        %add3A_208 = arith.addf %mul3A_206, %mul3A_207 : vector<16xf32>
        %mul3A_209 = arith.mulf %sub3A_205, %sub3A_205 : vector<16xf32>
        %add3A_210 = arith.addf %add3A_208, %mul3A_209 : vector<16xf32>
        %min3A_211 = arith.minimumf %scan3A_107, %add3A_210 : vector<16xf32>
        %gt3A_212 = arith.cmpf ogt, %min3A_211, %select_n3A_192 : vector<16xf32>
        %select_n3A_213 = arith.select %gt3A_212, %min3A_211, %select_n3A_192 : vector<16xi1>, vector<16xf32>
        %add3A_214 = arith.constant 48 : i32
        %add3A_215 = vector.broadcast %add3A_214 : i32 to vector<16xi32>
        %add3A_216 = arith.addi %add3A_215, %iota3A : vector<16xi32>
        %select_n3A_217 = arith.select %gt3A_212, %add3A_216, %select_n3A_196 : vector<16xi1>, vector<16xi32>
        %get3A_218 = arith.constant 64 : index
        %get3A_219 = tpu.vector_load %arg4[%get3A_218] {strides = array<i32>} : memref<32768xf32, #tpu.memory_space<vmem>>, vector<16xf32>,
        %sub3A_220 = arith.subf %get3A_219, %broadcast_in_dim3A_141 : vector<16xf32>
        %get3A_221 = arith.constant 64 : index
        %get3A_222 = tpu.vector_load %arg5[%get3A_221] {strides = array<i32>} : memref<32768xf32, #tpu.memory_space<vmem>>, vector<16xf32>,
        %sub3A_223 = arith.subf %get3A_222, %broadcast_in_dim3A_142 : vector<16xf32>
        %get3A_224 = arith.constant 64 : index
        %get3A_225 = tpu.vector_load %arg6[%get3A_224] {strides = array<i32>} : memref<32768xf32, #tpu.memory_space<vmem>>, vector<16xf32>,
        %sub3A_226 = arith.subf %get3A_225, %broadcast_in_dim3A_143 : vector<16xf32>
        %mul3A_227 = arith.mulf %sub3A_220, %sub3A_220 : vector<16xf32>
        %mul3A_228 = arith.mulf %sub3A_223, %sub3A_223 : vector<16xf32>
        %add3A_229 = arith.addf %mul3A_227, %mul3A_228 : vector<16xf32>
        %mul3A_230 = arith.mulf %sub3A_226, %sub3A_226 : vector<16xf32>
        %add3A_231 = arith.addf %add3A_229, %mul3A_230 : vector<16xf32>
        %min3A_232 = arith.minimumf %scan3A_108, %add3A_231 : vector<16xf32>
        %gt3A_233 = arith.cmpf ogt, %min3A_232, %select_n3A_213 : vector<16xf32>
        %select_n3A_234 = arith.select %gt3A_233, %min3A_232, %select_n3A_213 : vector<16xi1>, vector<16xf32>
        %add3A_235 = arith.constant 64 : i32
        %add3A_236 = vector.broadcast %add3A_235 : i32 to vector<16xi32>
        %add3A_237 = arith.addi %add3A_236, %iota3A : vector<16xi32>
        %select_n3A_238 = arith.select %gt3A_233, %add3A_237, %select_n3A_217 : vector<16xi1>, vector<16xi32>
        %get3A_239 = arith.constant 80 : index
        %get3A_240 = tpu.vector_load %arg4[%get3A_239] {strides = array<i32>} : memref<32768xf32, #tpu.memory_space<vmem>>, vector<16xf32>,
        %sub3A_241 = arith.subf %get3A_240, %broadcast_in_dim3A_141 : vector<16xf32>
        %get3A_242 = arith.constant 80 : index
        %get3A_243 = tpu.vector_load %arg5[%get3A_242] {strides = array<i32>} : memref<32768xf32, #tpu.memory_space<vmem>>, vector<16xf32>,
        %sub3A_244 = arith.subf %get3A_243, %broadcast_in_dim3A_142 : vector<16xf32>
        %get3A_245 = arith.constant 80 : index
        %get3A_246 = tpu.vector_load %arg6[%get3A_245] {strides = array<i32>} : memref<32768xf32, #tpu.memory_space<vmem>>, vector<16xf32>,
        %sub3A_247 = arith.subf %get3A_246, %broadcast_in_dim3A_143 : vector<16xf32>
        %mul3A_248 = arith.mulf %sub3A_241, %sub3A_241 : vector<16xf32>
        %mul3A_249 = arith.mulf %sub3A_244, %sub3A_244 : vector<16xf32>
        %add3A_250 = arith.addf %mul3A_248, %mul3A_249 : vector<16xf32>
        %mul3A_251 = arith.mulf %sub3A_247, %sub3A_247 : vector<16xf32>
        %add3A_252 = arith.addf %add3A_250, %mul3A_251 : vector<16xf32>
        %min3A_253 = arith.minimumf %scan3A_109, %add3A_252 : vector<16xf32>
        %gt3A_254 = arith.cmpf ogt, %min3A_253, %select_n3A_234 : vector<16xf32>
        %select_n3A_255 = arith.select %gt3A_254, %min3A_253, %select_n3A_234 : vector<16xi1>, vector<16xf32>
        %add3A_256 = arith.constant 80 : i32
        %add3A_257 = vector.broadcast %add3A_256 : i32 to vector<16xi32>
        %add3A_258 = arith.addi %add3A_257, %iota3A : vector<16xi32>
        %select_n3A_259 = arith.select %gt3A_254, %add3A_258, %select_n3A_238 : vector<16xi1>, vector<16xi32>
        %get3A_260 = arith.constant 96 : index
        %get3A_261 = tpu.vector_load %arg4[%get3A_260] {strides = array<i32>} : memref<32768xf32, #tpu.memory_space<vmem>>, vector<16xf32>,
        %sub3A_262 = arith.subf %get3A_261, %broadcast_in_dim3A_141 : vector<16xf32>
        %get3A_263 = arith.constant 96 : index
        %get3A_264 = tpu.vector_load %arg5[%get3A_263] {strides = array<i32>} : memref<32768xf32, #tpu.memory_space<vmem>>, vector<16xf32>,
        %sub3A_265 = arith.subf %get3A_264, %broadcast_in_dim3A_142 : vector<16xf32>
        %get3A_266 = arith.constant 96 : index
        %get3A_267 = tpu.vector_load %arg6[%get3A_266] {strides = array<i32>} : memref<32768xf32, #tpu.memory_space<vmem>>, vector<16xf32>,
        %sub3A_268 = arith.subf %get3A_267, %broadcast_in_dim3A_143 : vector<16xf32>
        %mul3A_269 = arith.mulf %sub3A_262, %sub3A_262 : vector<16xf32>
        %mul3A_270 = arith.mulf %sub3A_265, %sub3A_265 : vector<16xf32>
        %add3A_271 = arith.addf %mul3A_269, %mul3A_270 : vector<16xf32>
        %mul3A_272 = arith.mulf %sub3A_268, %sub3A_268 : vector<16xf32>
        %add3A_273 = arith.addf %add3A_271, %mul3A_272 : vector<16xf32>
        %min3A_274 = arith.minimumf %scan3A_110, %add3A_273 : vector<16xf32>
        %gt3A_275 = arith.cmpf ogt, %min3A_274, %select_n3A_255 : vector<16xf32>
        %select_n3A_276 = arith.select %gt3A_275, %min3A_274, %select_n3A_255 : vector<16xi1>, vector<16xf32>
        %add3A_277 = arith.constant 96 : i32
        %add3A_278 = vector.broadcast %add3A_277 : i32 to vector<16xi32>
        %add3A_279 = arith.addi %add3A_278, %iota3A : vector<16xi32>
        %select_n3A_280 = arith.select %gt3A_275, %add3A_279, %select_n3A_259 : vector<16xi1>, vector<16xi32>
        %get3A_281 = arith.constant 112 : index
        %get3A_282 = tpu.vector_load %arg4[%get3A_281] {strides = array<i32>} : memref<32768xf32, #tpu.memory_space<vmem>>, vector<16xf32>,
        %sub3A_283 = arith.subf %get3A_282, %broadcast_in_dim3A_141 : vector<16xf32>
        %get3A_284 = arith.constant 112 : index
        %get3A_285 = tpu.vector_load %arg5[%get3A_284] {strides = array<i32>} : memref<32768xf32, #tpu.memory_space<vmem>>, vector<16xf32>,
        %sub3A_286 = arith.subf %get3A_285, %broadcast_in_dim3A_142 : vector<16xf32>
        %get3A_287 = arith.constant 112 : index
        %get3A_288 = tpu.vector_load %arg6[%get3A_287] {strides = array<i32>} : memref<32768xf32, #tpu.memory_space<vmem>>, vector<16xf32>,
        %sub3A_289 = arith.subf %get3A_288, %broadcast_in_dim3A_143 : vector<16xf32>
        %mul3A_290 = arith.mulf %sub3A_283, %sub3A_283 : vector<16xf32>
        %mul3A_291 = arith.mulf %sub3A_286, %sub3A_286 : vector<16xf32>
        %add3A_292 = arith.addf %mul3A_290, %mul3A_291 : vector<16xf32>
        %mul3A_293 = arith.mulf %sub3A_289, %sub3A_289 : vector<16xf32>
        %add3A_294 = arith.addf %add3A_292, %mul3A_293 : vector<16xf32>
        %min3A_295 = arith.minimumf %scan3A_111, %add3A_294 : vector<16xf32>
        %gt3A_296 = arith.cmpf ogt, %min3A_295, %select_n3A_276 : vector<16xf32>
        %select_n3A_297 = arith.select %gt3A_296, %min3A_295, %select_n3A_276 : vector<16xi1>, vector<16xf32>
        %add3A_298 = arith.constant 112 : i32
        %add3A_299 = vector.broadcast %add3A_298 : i32 to vector<16xi32>
        %add3A_300 = arith.addi %add3A_299, %iota3A : vector<16xi32>
        %select_n3A_301 = arith.select %gt3A_296, %add3A_300, %select_n3A_280 : vector<16xi1>, vector<16xi32>
        %get3A_302 = arith.constant 128 : index
        %get3A_303 = tpu.vector_load %arg4[%get3A_302] {strides = array<i32>} : memref<32768xf32, #tpu.memory_space<vmem>>, vector<16xf32>,
        %sub3A_304 = arith.subf %get3A_303, %broadcast_in_dim3A_141 : vector<16xf32>
        %get3A_305 = arith.constant 128 : index
        %get3A_306 = tpu.vector_load %arg5[%get3A_305] {strides = array<i32>} : memref<32768xf32, #tpu.memory_space<vmem>>, vector<16xf32>,
        %sub3A_307 = arith.subf %get3A_306, %broadcast_in_dim3A_142 : vector<16xf32>
        %get3A_308 = arith.constant 128 : index
        %get3A_309 = tpu.vector_load %arg6[%get3A_308] {strides = array<i32>} : memref<32768xf32, #tpu.memory_space<vmem>>, vector<16xf32>,
        %sub3A_310 = arith.subf %get3A_309, %broadcast_in_dim3A_143 : vector<16xf32>
        %mul3A_311 = arith.mulf %sub3A_304, %sub3A_304 : vector<16xf32>
        %mul3A_312 = arith.mulf %sub3A_307, %sub3A_307 : vector<16xf32>
        %add3A_313 = arith.addf %mul3A_311, %mul3A_312 : vector<16xf32>
        %mul3A_314 = arith.mulf %sub3A_310, %sub3A_310 : vector<16xf32>
        %add3A_315 = arith.addf %add3A_313, %mul3A_314 : vector<16xf32>
        %min3A_316 = arith.minimumf %scan3A_112, %add3A_315 : vector<16xf32>
        %gt3A_317 = arith.cmpf ogt, %min3A_316, %select_n3A_297 : vector<16xf32>
        %select_n3A_318 = arith.select %gt3A_317, %min3A_316, %select_n3A_297 : vector<16xi1>, vector<16xf32>
        %add3A_319 = arith.constant 128 : i32
        %add3A_320 = vector.broadcast %add3A_319 : i32 to vector<16xi32>
        %add3A_321 = arith.addi %add3A_320, %iota3A : vector<16xi32>
        %select_n3A_322 = arith.select %gt3A_317, %add3A_321, %select_n3A_301 : vector<16xi1>, vector<16xi32>
        %get3A_323 = arith.constant 144 : index
        %get3A_324 = tpu.vector_load %arg4[%get3A_323] {strides = array<i32>} : memref<32768xf32, #tpu.memory_space<vmem>>, vector<16xf32>,
        %sub3A_325 = arith.subf %get3A_324, %broadcast_in_dim3A_141 : vector<16xf32>
        %get3A_326 = arith.constant 144 : index
        %get3A_327 = tpu.vector_load %arg5[%get3A_326] {strides = array<i32>} : memref<32768xf32, #tpu.memory_space<vmem>>, vector<16xf32>,
        %sub3A_328 = arith.subf %get3A_327, %broadcast_in_dim3A_142 : vector<16xf32>
        %get3A_329 = arith.constant 144 : index
        %get3A_330 = tpu.vector_load %arg6[%get3A_329] {strides = array<i32>} : memref<32768xf32, #tpu.memory_space<vmem>>, vector<16xf32>,
        %sub3A_331 = arith.subf %get3A_330, %broadcast_in_dim3A_143 : vector<16xf32>
        %mul3A_332 = arith.mulf %sub3A_325, %sub3A_325 : vector<16xf32>
        %mul3A_333 = arith.mulf %sub3A_328, %sub3A_328 : vector<16xf32>
        %add3A_334 = arith.addf %mul3A_332, %mul3A_333 : vector<16xf32>
        %mul3A_335 = arith.mulf %sub3A_331, %sub3A_331 : vector<16xf32>
        %add3A_336 = arith.addf %add3A_334, %mul3A_335 : vector<16xf32>
        %min3A_337 = arith.minimumf %scan3A_113, %add3A_336 : vector<16xf32>
        %gt3A_338 = arith.cmpf ogt, %min3A_337, %select_n3A_318 : vector<16xf32>
        %select_n3A_339 = arith.select %gt3A_338, %min3A_337, %select_n3A_318 : vector<16xi1>, vector<16xf32>
        %add3A_340 = arith.constant 144 : i32
        %add3A_341 = vector.broadcast %add3A_340 : i32 to vector<16xi32>
        %add3A_342 = arith.addi %add3A_341, %iota3A : vector<16xi32>
        %select_n3A_343 = arith.select %gt3A_338, %add3A_342, %select_n3A_322 : vector<16xi1>, vector<16xi32>
        %get3A_344 = arith.constant 160 : index
        %get3A_345 = tpu.vector_load %arg4[%get3A_344] {strides = array<i32>} : memref<32768xf32, #tpu.memory_space<vmem>>, vector<16xf32>,
        %sub3A_346 = arith.subf %get3A_345, %broadcast_in_dim3A_141 : vector<16xf32>
        %get3A_347 = arith.constant 160 : index
        %get3A_348 = tpu.vector_load %arg5[%get3A_347] {strides = array<i32>} : memref<32768xf32, #tpu.memory_space<vmem>>, vector<16xf32>,
        %sub3A_349 = arith.subf %get3A_348, %broadcast_in_dim3A_142 : vector<16xf32>
        %get3A_350 = arith.constant 160 : index
        %get3A_351 = tpu.vector_load %arg6[%get3A_350] {strides = array<i32>} : memref<32768xf32, #tpu.memory_space<vmem>>, vector<16xf32>,
        %sub3A_352 = arith.subf %get3A_351, %broadcast_in_dim3A_143 : vector<16xf32>
        %mul3A_353 = arith.mulf %sub3A_346, %sub3A_346 : vector<16xf32>
        %mul3A_354 = arith.mulf %sub3A_349, %sub3A_349 : vector<16xf32>
        %add3A_355 = arith.addf %mul3A_353, %mul3A_354 : vector<16xf32>
        %mul3A_356 = arith.mulf %sub3A_352, %sub3A_352 : vector<16xf32>
        %add3A_357 = arith.addf %add3A_355, %mul3A_356 : vector<16xf32>
        %min3A_358 = arith.minimumf %scan3A_114, %add3A_357 : vector<16xf32>
        %gt3A_359 = arith.cmpf ogt, %min3A_358, %select_n3A_339 : vector<16xf32>
        %select_n3A_360 = arith.select %gt3A_359, %min3A_358, %select_n3A_339 : vector<16xi1>, vector<16xf32>
        %add3A_361 = arith.constant 160 : i32
        %add3A_362 = vector.broadcast %add3A_361 : i32 to vector<16xi32>
        %add3A_363 = arith.addi %add3A_362, %iota3A : vector<16xi32>
        %select_n3A_364 = arith.select %gt3A_359, %add3A_363, %select_n3A_343 : vector<16xi1>, vector<16xi32>
        %get3A_365 = arith.constant 176 : index
        %get3A_366 = tpu.vector_load %arg4[%get3A_365] {strides = array<i32>} : memref<32768xf32, #tpu.memory_space<vmem>>, vector<16xf32>,
        %sub3A_367 = arith.subf %get3A_366, %broadcast_in_dim3A_141 : vector<16xf32>
        %get3A_368 = arith.constant 176 : index
        %get3A_369 = tpu.vector_load %arg5[%get3A_368] {strides = array<i32>} : memref<32768xf32, #tpu.memory_space<vmem>>, vector<16xf32>,
        %sub3A_370 = arith.subf %get3A_369, %broadcast_in_dim3A_142 : vector<16xf32>
        %get3A_371 = arith.constant 176 : index
        %get3A_372 = tpu.vector_load %arg6[%get3A_371] {strides = array<i32>} : memref<32768xf32, #tpu.memory_space<vmem>>, vector<16xf32>,
        %sub3A_373 = arith.subf %get3A_372, %broadcast_in_dim3A_143 : vector<16xf32>
        %mul3A_374 = arith.mulf %sub3A_367, %sub3A_367 : vector<16xf32>
        %mul3A_375 = arith.mulf %sub3A_370, %sub3A_370 : vector<16xf32>
        %add3A_376 = arith.addf %mul3A_374, %mul3A_375 : vector<16xf32>
        %mul3A_377 = arith.mulf %sub3A_373, %sub3A_373 : vector<16xf32>
        %add3A_378 = arith.addf %add3A_376, %mul3A_377 : vector<16xf32>
        %min3A_379 = arith.minimumf %scan3A_115, %add3A_378 : vector<16xf32>
        %gt3A_380 = arith.cmpf ogt, %min3A_379, %select_n3A_360 : vector<16xf32>
        %select_n3A_381 = arith.select %gt3A_380, %min3A_379, %select_n3A_360 : vector<16xi1>, vector<16xf32>
        %add3A_382 = arith.constant 176 : i32
        %add3A_383 = vector.broadcast %add3A_382 : i32 to vector<16xi32>
        %add3A_384 = arith.addi %add3A_383, %iota3A : vector<16xi32>
        %select_n3A_385 = arith.select %gt3A_380, %add3A_384, %select_n3A_364 : vector<16xi1>, vector<16xi32>
        %get3A_386 = arith.constant 192 : index
        %get3A_387 = tpu.vector_load %arg4[%get3A_386] {strides = array<i32>} : memref<32768xf32, #tpu.memory_space<vmem>>, vector<16xf32>,
        %sub3A_388 = arith.subf %get3A_387, %broadcast_in_dim3A_141 : vector<16xf32>
        %get3A_389 = arith.constant 192 : index
        %get3A_390 = tpu.vector_load %arg5[%get3A_389] {strides = array<i32>} : memref<32768xf32, #tpu.memory_space<vmem>>, vector<16xf32>,
        %sub3A_391 = arith.subf %get3A_390, %broadcast_in_dim3A_142 : vector<16xf32>
        %get3A_392 = arith.constant 192 : index
        %get3A_393 = tpu.vector_load %arg6[%get3A_392] {strides = array<i32>} : memref<32768xf32, #tpu.memory_space<vmem>>, vector<16xf32>,
        %sub3A_394 = arith.subf %get3A_393, %broadcast_in_dim3A_143 : vector<16xf32>
        %mul3A_395 = arith.mulf %sub3A_388, %sub3A_388 : vector<16xf32>
        %mul3A_396 = arith.mulf %sub3A_391, %sub3A_391 : vector<16xf32>
        %add3A_397 = arith.addf %mul3A_395, %mul3A_396 : vector<16xf32>
        %mul3A_398 = arith.mulf %sub3A_394, %sub3A_394 : vector<16xf32>
        %add3A_399 = arith.addf %add3A_397, %mul3A_398 : vector<16xf32>
        %min3A_400 = arith.minimumf %scan3A_116, %add3A_399 : vector<16xf32>
        %gt3A_401 = arith.cmpf ogt, %min3A_400, %select_n3A_381 : vector<16xf32>
        %select_n3A_402 = arith.select %gt3A_401, %min3A_400, %select_n3A_381 : vector<16xi1>, vector<16xf32>
        %add3A_403 = arith.constant 192 : i32
        %add3A_404 = vector.broadcast %add3A_403 : i32 to vector<16xi32>
        %add3A_405 = arith.addi %add3A_404, %iota3A : vector<16xi32>
        %select_n3A_406 = arith.select %gt3A_401, %add3A_405, %select_n3A_385 : vector<16xi1>, vector<16xi32>
        %get3A_407 = arith.constant 208 : index
        %get3A_408 = tpu.vector_load %arg4[%get3A_407] {strides = array<i32>} : memref<32768xf32, #tpu.memory_space<vmem>>, vector<16xf32>,
        %sub3A_409 = arith.subf %get3A_408, %broadcast_in_dim3A_141 : vector<16xf32>
        %get3A_410 = arith.constant 208 : index
        %get3A_411 = tpu.vector_load %arg5[%get3A_410] {strides = array<i32>} : memref<32768xf32, #tpu.memory_space<vmem>>, vector<16xf32>,
        %sub3A_412 = arith.subf %get3A_411, %broadcast_in_dim3A_142 : vector<16xf32>
        %get3A_413 = arith.constant 208 : index
        %get3A_414 = tpu.vector_load %arg6[%get3A_413] {strides = array<i32>} : memref<32768xf32, #tpu.memory_space<vmem>>, vector<16xf32>,
        %sub3A_415 = arith.subf %get3A_414, %broadcast_in_dim3A_143 : vector<16xf32>
        %mul3A_416 = arith.mulf %sub3A_409, %sub3A_409 : vector<16xf32>
        %mul3A_417 = arith.mulf %sub3A_412, %sub3A_412 : vector<16xf32>
        %add3A_418 = arith.addf %mul3A_416, %mul3A_417 : vector<16xf32>
        %mul3A_419 = arith.mulf %sub3A_415, %sub3A_415 : vector<16xf32>
        %add3A_420 = arith.addf %add3A_418, %mul3A_419 : vector<16xf32>
        %min3A_421 = arith.minimumf %scan3A_117, %add3A_420 : vector<16xf32>
        %gt3A_422 = arith.cmpf ogt, %min3A_421, %select_n3A_402 : vector<16xf32>
        %select_n3A_423 = arith.select %gt3A_422, %min3A_421, %select_n3A_402 : vector<16xi1>, vector<16xf32>
        %add3A_424 = arith.constant 208 : i32
        %add3A_425 = vector.broadcast %add3A_424 : i32 to vector<16xi32>
        %add3A_426 = arith.addi %add3A_425, %iota3A : vector<16xi32>
        %select_n3A_427 = arith.select %gt3A_422, %add3A_426, %select_n3A_406 : vector<16xi1>, vector<16xi32>
        %get3A_428 = arith.constant 224 : index
        %get3A_429 = tpu.vector_load %arg4[%get3A_428] {strides = array<i32>} : memref<32768xf32, #tpu.memory_space<vmem>>, vector<16xf32>,
        %sub3A_430 = arith.subf %get3A_429, %broadcast_in_dim3A_141 : vector<16xf32>
        %get3A_431 = arith.constant 224 : index
        %get3A_432 = tpu.vector_load %arg5[%get3A_431] {strides = array<i32>} : memref<32768xf32, #tpu.memory_space<vmem>>, vector<16xf32>,
        %sub3A_433 = arith.subf %get3A_432, %broadcast_in_dim3A_142 : vector<16xf32>
        %get3A_434 = arith.constant 224 : index
        %get3A_435 = tpu.vector_load %arg6[%get3A_434] {strides = array<i32>} : memref<32768xf32, #tpu.memory_space<vmem>>, vector<16xf32>,
        %sub3A_436 = arith.subf %get3A_435, %broadcast_in_dim3A_143 : vector<16xf32>
        %mul3A_437 = arith.mulf %sub3A_430, %sub3A_430 : vector<16xf32>
        %mul3A_438 = arith.mulf %sub3A_433, %sub3A_433 : vector<16xf32>
        %add3A_439 = arith.addf %mul3A_437, %mul3A_438 : vector<16xf32>
        %mul3A_440 = arith.mulf %sub3A_436, %sub3A_436 : vector<16xf32>
        %add3A_441 = arith.addf %add3A_439, %mul3A_440 : vector<16xf32>
        %min3A_442 = arith.minimumf %scan3A_118, %add3A_441 : vector<16xf32>
        %gt3A_443 = arith.cmpf ogt, %min3A_442, %select_n3A_423 : vector<16xf32>
        %select_n3A_444 = arith.select %gt3A_443, %min3A_442, %select_n3A_423 : vector<16xi1>, vector<16xf32>
        %add3A_445 = arith.constant 224 : i32
        %add3A_446 = vector.broadcast %add3A_445 : i32 to vector<16xi32>
        %add3A_447 = arith.addi %add3A_446, %iota3A : vector<16xi32>
        %select_n3A_448 = arith.select %gt3A_443, %add3A_447, %select_n3A_427 : vector<16xi1>, vector<16xi32>
        %get3A_449 = arith.constant 240 : index
        %get3A_450 = tpu.vector_load %arg4[%get3A_449] {strides = array<i32>} : memref<32768xf32, #tpu.memory_space<vmem>>, vector<16xf32>,
        %sub3A_451 = arith.subf %get3A_450, %broadcast_in_dim3A_141 : vector<16xf32>
        %get3A_452 = arith.constant 240 : index
        %get3A_453 = tpu.vector_load %arg5[%get3A_452] {strides = array<i32>} : memref<32768xf32, #tpu.memory_space<vmem>>, vector<16xf32>,
        %sub3A_454 = arith.subf %get3A_453, %broadcast_in_dim3A_142 : vector<16xf32>
        %get3A_455 = arith.constant 240 : index
        %get3A_456 = tpu.vector_load %arg6[%get3A_455] {strides = array<i32>} : memref<32768xf32, #tpu.memory_space<vmem>>, vector<16xf32>,
        %sub3A_457 = arith.subf %get3A_456, %broadcast_in_dim3A_143 : vector<16xf32>
        %mul3A_458 = arith.mulf %sub3A_451, %sub3A_451 : vector<16xf32>
        %mul3A_459 = arith.mulf %sub3A_454, %sub3A_454 : vector<16xf32>
        %add3A_460 = arith.addf %mul3A_458, %mul3A_459 : vector<16xf32>
        %mul3A_461 = arith.mulf %sub3A_457, %sub3A_457 : vector<16xf32>
        %add3A_462 = arith.addf %add3A_460, %mul3A_461 : vector<16xf32>
        %min3A_463 = arith.minimumf %scan3A_119, %add3A_462 : vector<16xf32>
        %gt3A_464 = arith.cmpf ogt, %min3A_463, %select_n3A_444 : vector<16xf32>
        %select_n3A_465 = arith.select %gt3A_464, %min3A_463, %select_n3A_444 : vector<16xi1>, vector<16xf32>
        %add3A_466 = arith.constant 240 : i32
        %add3A_467 = vector.broadcast %add3A_466 : i32 to vector<16xi32>
        %add3A_468 = arith.addi %add3A_467, %iota3A : vector<16xi32>
        %select_n3A_469 = arith.select %gt3A_464, %add3A_468, %select_n3A_448 : vector<16xi1>, vector<16xi32>
        %get3A_470 = arith.constant 256 : index
        %get3A_471 = tpu.vector_load %arg4[%get3A_470] {strides = array<i32>} : memref<32768xf32, #tpu.memory_space<vmem>>, vector<16xf32>,
        %sub3A_472 = arith.subf %get3A_471, %broadcast_in_dim3A_141 : vector<16xf32>
        %get3A_473 = arith.constant 256 : index
        %get3A_474 = tpu.vector_load %arg5[%get3A_473] {strides = array<i32>} : memref<32768xf32, #tpu.memory_space<vmem>>, vector<16xf32>,
        %sub3A_475 = arith.subf %get3A_474, %broadcast_in_dim3A_142 : vector<16xf32>
        %get3A_476 = arith.constant 256 : index
        %get3A_477 = tpu.vector_load %arg6[%get3A_476] {strides = array<i32>} : memref<32768xf32, #tpu.memory_space<vmem>>, vector<16xf32>,
        %sub3A_478 = arith.subf %get3A_477, %broadcast_in_dim3A_143 : vector<16xf32>
        %mul3A_479 = arith.mulf %sub3A_472, %sub3A_472 : vector<16xf32>
        %mul3A_480 = arith.mulf %sub3A_475, %sub3A_475 : vector<16xf32>
        %add3A_481 = arith.addf %mul3A_479, %mul3A_480 : vector<16xf32>
        %mul3A_482 = arith.mulf %sub3A_478, %sub3A_478 : vector<16xf32>
        %add3A_483 = arith.addf %add3A_481, %mul3A_482 : vector<16xf32>
        %min3A_484 = arith.minimumf %scan3A_120, %add3A_483 : vector<16xf32>
        %gt3A_485 = arith.cmpf ogt, %min3A_484, %select_n3A_465 : vector<16xf32>
        %select_n3A_486 = arith.select %gt3A_485, %min3A_484, %select_n3A_465 : vector<16xi1>, vector<16xf32>
        %add3A_487 = arith.constant 256 : i32
        %add3A_488 = vector.broadcast %add3A_487 : i32 to vector<16xi32>
        %add3A_489 = arith.addi %add3A_488, %iota3A : vector<16xi32>
        %select_n3A_490 = arith.select %gt3A_485, %add3A_489, %select_n3A_469 : vector<16xi1>, vector<16xi32>
        %get3A_491 = arith.constant 272 : index
        %get3A_492 = tpu.vector_load %arg4[%get3A_491] {strides = array<i32>} : memref<32768xf32, #tpu.memory_space<vmem>>, vector<16xf32>,
        %sub3A_493 = arith.subf %get3A_492, %broadcast_in_dim3A_141 : vector<16xf32>
        %get3A_494 = arith.constant 272 : index
        %get3A_495 = tpu.vector_load %arg5[%get3A_494] {strides = array<i32>} : memref<32768xf32, #tpu.memory_space<vmem>>, vector<16xf32>,
        %sub3A_496 = arith.subf %get3A_495, %broadcast_in_dim3A_142 : vector<16xf32>
        %get3A_497 = arith.constant 272 : index
        %get3A_498 = tpu.vector_load %arg6[%get3A_497] {strides = array<i32>} : memref<32768xf32, #tpu.memory_space<vmem>>, vector<16xf32>,
        %sub3A_499 = arith.subf %get3A_498, %broadcast_in_dim3A_143 : vector<16xf32>
        %mul3A_500 = arith.mulf %sub3A_493, %sub3A_493 : vector<16xf32>
        %mul3A_501 = arith.mulf %sub3A_496, %sub3A_496 : vector<16xf32>
        %add3A_502 = arith.addf %mul3A_500, %mul3A_501 : vector<16xf32>
        %mul3A_503 = arith.mulf %sub3A_499, %sub3A_499 : vector<16xf32>
        %add3A_504 = arith.addf %add3A_502, %mul3A_503 : vector<16xf32>
        %min3A_505 = arith.minimumf %scan3A_121, %add3A_504 : vector<16xf32>
        %gt3A_506 = arith.cmpf ogt, %min3A_505, %select_n3A_486 : vector<16xf32>
        %select_n3A_507 = arith.select %gt3A_506, %min3A_505, %select_n3A_486 : vector<16xi1>, vector<16xf32>
        %add3A_508 = arith.constant 272 : i32
        %add3A_509 = vector.broadcast %add3A_508 : i32 to vector<16xi32>
        %add3A_510 = arith.addi %add3A_509, %iota3A : vector<16xi32>
        %select_n3A_511 = arith.select %gt3A_506, %add3A_510, %select_n3A_490 : vector<16xi1>, vector<16xi32>
        %get3A_512 = arith.constant 288 : index
        %get3A_513 = tpu.vector_load %arg4[%get3A_512] {strides = array<i32>} : memref<32768xf32, #tpu.memory_space<vmem>>, vector<16xf32>,
        %sub3A_514 = arith.subf %get3A_513, %broadcast_in_dim3A_141 : vector<16xf32>
        %get3A_515 = arith.constant 288 : index
        %get3A_516 = tpu.vector_load %arg5[%get3A_515] {strides = array<i32>} : memref<32768xf32, #tpu.memory_space<vmem>>, vector<16xf32>,
        %sub3A_517 = arith.subf %get3A_516, %broadcast_in_dim3A_142 : vector<16xf32>
        %get3A_518 = arith.constant 288 : index
        %get3A_519 = tpu.vector_load %arg6[%get3A_518] {strides = array<i32>} : memref<32768xf32, #tpu.memory_space<vmem>>, vector<16xf32>,
        %sub3A_520 = arith.subf %get3A_519, %broadcast_in_dim3A_143 : vector<16xf32>
        %mul3A_521 = arith.mulf %sub3A_514, %sub3A_514 : vector<16xf32>
        %mul3A_522 = arith.mulf %sub3A_517, %sub3A_517 : vector<16xf32>
        %add3A_523 = arith.addf %mul3A_521, %mul3A_522 : vector<16xf32>
        %mul3A_524 = arith.mulf %sub3A_520, %sub3A_520 : vector<16xf32>
        %add3A_525 = arith.addf %add3A_523, %mul3A_524 : vector<16xf32>
        %min3A_526 = arith.minimumf %scan3A_122, %add3A_525 : vector<16xf32>
        %gt3A_527 = arith.cmpf ogt, %min3A_526, %select_n3A_507 : vector<16xf32>
        %select_n3A_528 = arith.select %gt3A_527, %min3A_526, %select_n3A_507 : vector<16xi1>, vector<16xf32>
        %add3A_529 = arith.constant 288 : i32
        %add3A_530 = vector.broadcast %add3A_529 : i32 to vector<16xi32>
        %add3A_531 = arith.addi %add3A_530, %iota3A : vector<16xi32>
        %select_n3A_532 = arith.select %gt3A_527, %add3A_531, %select_n3A_511 : vector<16xi1>, vector<16xi32>
        %get3A_533 = arith.constant 304 : index
        %get3A_534 = tpu.vector_load %arg4[%get3A_533] {strides = array<i32>} : memref<32768xf32, #tpu.memory_space<vmem>>, vector<16xf32>,
        %sub3A_535 = arith.subf %get3A_534, %broadcast_in_dim3A_141 : vector<16xf32>
        %get3A_536 = arith.constant 304 : index
        %get3A_537 = tpu.vector_load %arg5[%get3A_536] {strides = array<i32>} : memref<32768xf32, #tpu.memory_space<vmem>>, vector<16xf32>,
        %sub3A_538 = arith.subf %get3A_537, %broadcast_in_dim3A_142 : vector<16xf32>
        %get3A_539 = arith.constant 304 : index
        %get3A_540 = tpu.vector_load %arg6[%get3A_539] {strides = array<i32>} : memref<32768xf32, #tpu.memory_space<vmem>>, vector<16xf32>,
        %sub3A_541 = arith.subf %get3A_540, %broadcast_in_dim3A_143 : vector<16xf32>
        %mul3A_542 = arith.mulf %sub3A_535, %sub3A_535 : vector<16xf32>
        %mul3A_543 = arith.mulf %sub3A_538, %sub3A_538 : vector<16xf32>
        %add3A_544 = arith.addf %mul3A_542, %mul3A_543 : vector<16xf32>
        %mul3A_545 = arith.mulf %sub3A_541, %sub3A_541 : vector<16xf32>
        %add3A_546 = arith.addf %add3A_544, %mul3A_545 : vector<16xf32>
        %min3A_547 = arith.minimumf %scan3A_123, %add3A_546 : vector<16xf32>
        %gt3A_548 = arith.cmpf ogt, %min3A_547, %select_n3A_528 : vector<16xf32>
        %select_n3A_549 = arith.select %gt3A_548, %min3A_547, %select_n3A_528 : vector<16xi1>, vector<16xf32>
        %add3A_550 = arith.constant 304 : i32
        %add3A_551 = vector.broadcast %add3A_550 : i32 to vector<16xi32>
        %add3A_552 = arith.addi %add3A_551, %iota3A : vector<16xi32>
        %select_n3A_553 = arith.select %gt3A_548, %add3A_552, %select_n3A_532 : vector<16xi1>, vector<16xi32>
        %get3A_554 = arith.constant 320 : index
        %get3A_555 = tpu.vector_load %arg4[%get3A_554] {strides = array<i32>} : memref<32768xf32, #tpu.memory_space<vmem>>, vector<16xf32>,
        %sub3A_556 = arith.subf %get3A_555, %broadcast_in_dim3A_141 : vector<16xf32>
        %get3A_557 = arith.constant 320 : index
        %get3A_558 = tpu.vector_load %arg5[%get3A_557] {strides = array<i32>} : memref<32768xf32, #tpu.memory_space<vmem>>, vector<16xf32>,
        %sub3A_559 = arith.subf %get3A_558, %broadcast_in_dim3A_142 : vector<16xf32>
        %get3A_560 = arith.constant 320 : index
        %get3A_561 = tpu.vector_load %arg6[%get3A_560] {strides = array<i32>} : memref<32768xf32, #tpu.memory_space<vmem>>, vector<16xf32>,
        %sub3A_562 = arith.subf %get3A_561, %broadcast_in_dim3A_143 : vector<16xf32>
        %mul3A_563 = arith.mulf %sub3A_556, %sub3A_556 : vector<16xf32>
        %mul3A_564 = arith.mulf %sub3A_559, %sub3A_559 : vector<16xf32>
        %add3A_565 = arith.addf %mul3A_563, %mul3A_564 : vector<16xf32>
        %mul3A_566 = arith.mulf %sub3A_562, %sub3A_562 : vector<16xf32>
        %add3A_567 = arith.addf %add3A_565, %mul3A_566 : vector<16xf32>
        %min3A_568 = arith.minimumf %scan3A_124, %add3A_567 : vector<16xf32>
        %gt3A_569 = arith.cmpf ogt, %min3A_568, %select_n3A_549 : vector<16xf32>
        %select_n3A_570 = arith.select %gt3A_569, %min3A_568, %select_n3A_549 : vector<16xi1>, vector<16xf32>
        %add3A_571 = arith.constant 320 : i32
        %add3A_572 = vector.broadcast %add3A_571 : i32 to vector<16xi32>
        %add3A_573 = arith.addi %add3A_572, %iota3A : vector<16xi32>
        %select_n3A_574 = arith.select %gt3A_569, %add3A_573, %select_n3A_553 : vector<16xi1>, vector<16xi32>
        %get3A_575 = arith.constant 336 : index
        %get3A_576 = tpu.vector_load %arg4[%get3A_575] {strides = array<i32>} : memref<32768xf32, #tpu.memory_space<vmem>>, vector<16xf32>,
        %sub3A_577 = arith.subf %get3A_576, %broadcast_in_dim3A_141 : vector<16xf32>
        %get3A_578 = arith.constant 336 : index
        %get3A_579 = tpu.vector_load %arg5[%get3A_578] {strides = array<i32>} : memref<32768xf32, #tpu.memory_space<vmem>>, vector<16xf32>,
        %sub3A_580 = arith.subf %get3A_579, %broadcast_in_dim3A_142 : vector<16xf32>
        %get3A_581 = arith.constant 336 : index
        %get3A_582 = tpu.vector_load %arg6[%get3A_581] {strides = array<i32>} : memref<32768xf32, #tpu.memory_space<vmem>>, vector<16xf32>,
        %sub3A_583 = arith.subf %get3A_582, %broadcast_in_dim3A_143 : vector<16xf32>
        %mul3A_584 = arith.mulf %sub3A_577, %sub3A_577 : vector<16xf32>
        %mul3A_585 = arith.mulf %sub3A_580, %sub3A_580 : vector<16xf32>
        %add3A_586 = arith.addf %mul3A_584, %mul3A_585 : vector<16xf32>
        %mul3A_587 = arith.mulf %sub3A_583, %sub3A_583 : vector<16xf32>
        %add3A_588 = arith.addf %add3A_586, %mul3A_587 : vector<16xf32>
        %min3A_589 = arith.minimumf %scan3A_125, %add3A_588 : vector<16xf32>
        %gt3A_590 = arith.cmpf ogt, %min3A_589, %select_n3A_570 : vector<16xf32>
        %select_n3A_591 = arith.select %gt3A_590, %min3A_589, %select_n3A_570 : vector<16xi1>, vector<16xf32>
        %add3A_592 = arith.constant 336 : i32
        %add3A_593 = vector.broadcast %add3A_592 : i32 to vector<16xi32>
        %add3A_594 = arith.addi %add3A_593, %iota3A : vector<16xi32>
        %select_n3A_595 = arith.select %gt3A_590, %add3A_594, %select_n3A_574 : vector<16xi1>, vector<16xi32>
        %get3A_596 = arith.constant 352 : index
        %get3A_597 = tpu.vector_load %arg4[%get3A_596] {strides = array<i32>} : memref<32768xf32, #tpu.memory_space<vmem>>, vector<16xf32>,
        %sub3A_598 = arith.subf %get3A_597, %broadcast_in_dim3A_141 : vector<16xf32>
        %get3A_599 = arith.constant 352 : index
        %get3A_600 = tpu.vector_load %arg5[%get3A_599] {strides = array<i32>} : memref<32768xf32, #tpu.memory_space<vmem>>, vector<16xf32>,
        %sub3A_601 = arith.subf %get3A_600, %broadcast_in_dim3A_142 : vector<16xf32>
        %get3A_602 = arith.constant 352 : index
        %get3A_603 = tpu.vector_load %arg6[%get3A_602] {strides = array<i32>} : memref<32768xf32, #tpu.memory_space<vmem>>, vector<16xf32>,
        %sub3A_604 = arith.subf %get3A_603, %broadcast_in_dim3A_143 : vector<16xf32>
        %mul3A_605 = arith.mulf %sub3A_598, %sub3A_598 : vector<16xf32>
        %mul3A_606 = arith.mulf %sub3A_601, %sub3A_601 : vector<16xf32>
        %add3A_607 = arith.addf %mul3A_605, %mul3A_606 : vector<16xf32>
        %mul3A_608 = arith.mulf %sub3A_604, %sub3A_604 : vector<16xf32>
        %add3A_609 = arith.addf %add3A_607, %mul3A_608 : vector<16xf32>
        %min3A_610 = arith.minimumf %scan3A_126, %add3A_609 : vector<16xf32>
        %gt3A_611 = arith.cmpf ogt, %min3A_610, %select_n3A_591 : vector<16xf32>
        %select_n3A_612 = arith.select %gt3A_611, %min3A_610, %select_n3A_591 : vector<16xi1>, vector<16xf32>
        %add3A_613 = arith.constant 352 : i32
        %add3A_614 = vector.broadcast %add3A_613 : i32 to vector<16xi32>
        %add3A_615 = arith.addi %add3A_614, %iota3A : vector<16xi32>
        %select_n3A_616 = arith.select %gt3A_611, %add3A_615, %select_n3A_595 : vector<16xi1>, vector<16xi32>
        %get3A_617 = arith.constant 368 : index
        %get3A_618 = tpu.vector_load %arg4[%get3A_617] {strides = array<i32>} : memref<32768xf32, #tpu.memory_space<vmem>>, vector<16xf32>,
        %sub3A_619 = arith.subf %get3A_618, %broadcast_in_dim3A_141 : vector<16xf32>
        %get3A_620 = arith.constant 368 : index
        %get3A_621 = tpu.vector_load %arg5[%get3A_620] {strides = array<i32>} : memref<32768xf32, #tpu.memory_space<vmem>>, vector<16xf32>,
        %sub3A_622 = arith.subf %get3A_621, %broadcast_in_dim3A_142 : vector<16xf32>
        %get3A_623 = arith.constant 368 : index
        %get3A_624 = tpu.vector_load %arg6[%get3A_623] {strides = array<i32>} : memref<32768xf32, #tpu.memory_space<vmem>>, vector<16xf32>,
        %sub3A_625 = arith.subf %get3A_624, %broadcast_in_dim3A_143 : vector<16xf32>
        %mul3A_626 = arith.mulf %sub3A_619, %sub3A_619 : vector<16xf32>
        %mul3A_627 = arith.mulf %sub3A_622, %sub3A_622 : vector<16xf32>
        %add3A_628 = arith.addf %mul3A_626, %mul3A_627 : vector<16xf32>
        %mul3A_629 = arith.mulf %sub3A_625, %sub3A_625 : vector<16xf32>
        %add3A_630 = arith.addf %add3A_628, %mul3A_629 : vector<16xf32>
        %min3A_631 = arith.minimumf %scan3A_127, %add3A_630 : vector<16xf32>
        %gt3A_632 = arith.cmpf ogt, %min3A_631, %select_n3A_612 : vector<16xf32>
        %select_n3A_633 = arith.select %gt3A_632, %min3A_631, %select_n3A_612 : vector<16xi1>, vector<16xf32>
        %add3A_634 = arith.constant 368 : i32
        %add3A_635 = vector.broadcast %add3A_634 : i32 to vector<16xi32>
        %add3A_636 = arith.addi %add3A_635, %iota3A : vector<16xi32>
        %select_n3A_637 = arith.select %gt3A_632, %add3A_636, %select_n3A_616 : vector<16xi1>, vector<16xi32>
        %get3A_638 = arith.constant 384 : index
        %get3A_639 = tpu.vector_load %arg4[%get3A_638] {strides = array<i32>} : memref<32768xf32, #tpu.memory_space<vmem>>, vector<16xf32>,
        %sub3A_640 = arith.subf %get3A_639, %broadcast_in_dim3A_141 : vector<16xf32>
        %get3A_641 = arith.constant 384 : index
        %get3A_642 = tpu.vector_load %arg5[%get3A_641] {strides = array<i32>} : memref<32768xf32, #tpu.memory_space<vmem>>, vector<16xf32>,
        %sub3A_643 = arith.subf %get3A_642, %broadcast_in_dim3A_142 : vector<16xf32>
        %get3A_644 = arith.constant 384 : index
        %get3A_645 = tpu.vector_load %arg6[%get3A_644] {strides = array<i32>} : memref<32768xf32, #tpu.memory_space<vmem>>, vector<16xf32>,
        %sub3A_646 = arith.subf %get3A_645, %broadcast_in_dim3A_143 : vector<16xf32>
        %mul3A_647 = arith.mulf %sub3A_640, %sub3A_640 : vector<16xf32>
        %mul3A_648 = arith.mulf %sub3A_643, %sub3A_643 : vector<16xf32>
        %add3A_649 = arith.addf %mul3A_647, %mul3A_648 : vector<16xf32>
        %mul3A_650 = arith.mulf %sub3A_646, %sub3A_646 : vector<16xf32>
        %add3A_651 = arith.addf %add3A_649, %mul3A_650 : vector<16xf32>
        %min3A_652 = arith.minimumf %scan3A_128, %add3A_651 : vector<16xf32>
        %gt3A_653 = arith.cmpf ogt, %min3A_652, %select_n3A_633 : vector<16xf32>
        %select_n3A_654 = arith.select %gt3A_653, %min3A_652, %select_n3A_633 : vector<16xi1>, vector<16xf32>
        %add3A_655 = arith.constant 384 : i32
        %add3A_656 = vector.broadcast %add3A_655 : i32 to vector<16xi32>
        %add3A_657 = arith.addi %add3A_656, %iota3A : vector<16xi32>
        %select_n3A_658 = arith.select %gt3A_653, %add3A_657, %select_n3A_637 : vector<16xi1>, vector<16xi32>
        %get3A_659 = arith.constant 400 : index
        %get3A_660 = tpu.vector_load %arg4[%get3A_659] {strides = array<i32>} : memref<32768xf32, #tpu.memory_space<vmem>>, vector<16xf32>,
        %sub3A_661 = arith.subf %get3A_660, %broadcast_in_dim3A_141 : vector<16xf32>
        %get3A_662 = arith.constant 400 : index
        %get3A_663 = tpu.vector_load %arg5[%get3A_662] {strides = array<i32>} : memref<32768xf32, #tpu.memory_space<vmem>>, vector<16xf32>,
        %sub3A_664 = arith.subf %get3A_663, %broadcast_in_dim3A_142 : vector<16xf32>
        %get3A_665 = arith.constant 400 : index
        %get3A_666 = tpu.vector_load %arg6[%get3A_665] {strides = array<i32>} : memref<32768xf32, #tpu.memory_space<vmem>>, vector<16xf32>,
        %sub3A_667 = arith.subf %get3A_666, %broadcast_in_dim3A_143 : vector<16xf32>
        %mul3A_668 = arith.mulf %sub3A_661, %sub3A_661 : vector<16xf32>
        %mul3A_669 = arith.mulf %sub3A_664, %sub3A_664 : vector<16xf32>
        %add3A_670 = arith.addf %mul3A_668, %mul3A_669 : vector<16xf32>
        %mul3A_671 = arith.mulf %sub3A_667, %sub3A_667 : vector<16xf32>
        %add3A_672 = arith.addf %add3A_670, %mul3A_671 : vector<16xf32>
        %min3A_673 = arith.minimumf %scan3A_129, %add3A_672 : vector<16xf32>
        %gt3A_674 = arith.cmpf ogt, %min3A_673, %select_n3A_654 : vector<16xf32>
        %select_n3A_675 = arith.select %gt3A_674, %min3A_673, %select_n3A_654 : vector<16xi1>, vector<16xf32>
        %add3A_676 = arith.constant 400 : i32
        %add3A_677 = vector.broadcast %add3A_676 : i32 to vector<16xi32>
        %add3A_678 = arith.addi %add3A_677, %iota3A : vector<16xi32>
        %select_n3A_679 = arith.select %gt3A_674, %add3A_678, %select_n3A_658 : vector<16xi1>, vector<16xi32>
        %get3A_680 = arith.constant 416 : index
        %get3A_681 = tpu.vector_load %arg4[%get3A_680] {strides = array<i32>} : memref<32768xf32, #tpu.memory_space<vmem>>, vector<16xf32>,
        %sub3A_682 = arith.subf %get3A_681, %broadcast_in_dim3A_141 : vector<16xf32>
        %get3A_683 = arith.constant 416 : index
        %get3A_684 = tpu.vector_load %arg5[%get3A_683] {strides = array<i32>} : memref<32768xf32, #tpu.memory_space<vmem>>, vector<16xf32>,
        %sub3A_685 = arith.subf %get3A_684, %broadcast_in_dim3A_142 : vector<16xf32>
        %get3A_686 = arith.constant 416 : index
        %get3A_687 = tpu.vector_load %arg6[%get3A_686] {strides = array<i32>} : memref<32768xf32, #tpu.memory_space<vmem>>, vector<16xf32>,
        %sub3A_688 = arith.subf %get3A_687, %broadcast_in_dim3A_143 : vector<16xf32>
        %mul3A_689 = arith.mulf %sub3A_682, %sub3A_682 : vector<16xf32>
        %mul3A_690 = arith.mulf %sub3A_685, %sub3A_685 : vector<16xf32>
        %add3A_691 = arith.addf %mul3A_689, %mul3A_690 : vector<16xf32>
        %mul3A_692 = arith.mulf %sub3A_688, %sub3A_688 : vector<16xf32>
        %add3A_693 = arith.addf %add3A_691, %mul3A_692 : vector<16xf32>
        %min3A_694 = arith.minimumf %scan3A_130, %add3A_693 : vector<16xf32>
        %gt3A_695 = arith.cmpf ogt, %min3A_694, %select_n3A_675 : vector<16xf32>
        %select_n3A_696 = arith.select %gt3A_695, %min3A_694, %select_n3A_675 : vector<16xi1>, vector<16xf32>
        %add3A_697 = arith.constant 416 : i32
        %add3A_698 = vector.broadcast %add3A_697 : i32 to vector<16xi32>
        %add3A_699 = arith.addi %add3A_698, %iota3A : vector<16xi32>
        %select_n3A_700 = arith.select %gt3A_695, %add3A_699, %select_n3A_679 : vector<16xi1>, vector<16xi32>
        %get3A_701 = arith.constant 432 : index
        %get3A_702 = tpu.vector_load %arg4[%get3A_701] {strides = array<i32>} : memref<32768xf32, #tpu.memory_space<vmem>>, vector<16xf32>,
        %sub3A_703 = arith.subf %get3A_702, %broadcast_in_dim3A_141 : vector<16xf32>
        %get3A_704 = arith.constant 432 : index
        %get3A_705 = tpu.vector_load %arg5[%get3A_704] {strides = array<i32>} : memref<32768xf32, #tpu.memory_space<vmem>>, vector<16xf32>,
        %sub3A_706 = arith.subf %get3A_705, %broadcast_in_dim3A_142 : vector<16xf32>
        %get3A_707 = arith.constant 432 : index
        %get3A_708 = tpu.vector_load %arg6[%get3A_707] {strides = array<i32>} : memref<32768xf32, #tpu.memory_space<vmem>>, vector<16xf32>,
        %sub3A_709 = arith.subf %get3A_708, %broadcast_in_dim3A_143 : vector<16xf32>
        %mul3A_710 = arith.mulf %sub3A_703, %sub3A_703 : vector<16xf32>
        %mul3A_711 = arith.mulf %sub3A_706, %sub3A_706 : vector<16xf32>
        %add3A_712 = arith.addf %mul3A_710, %mul3A_711 : vector<16xf32>
        %mul3A_713 = arith.mulf %sub3A_709, %sub3A_709 : vector<16xf32>
        %add3A_714 = arith.addf %add3A_712, %mul3A_713 : vector<16xf32>
        %min3A_715 = arith.minimumf %scan3A_131, %add3A_714 : vector<16xf32>
        %gt3A_716 = arith.cmpf ogt, %min3A_715, %select_n3A_696 : vector<16xf32>
        %select_n3A_717 = arith.select %gt3A_716, %min3A_715, %select_n3A_696 : vector<16xi1>, vector<16xf32>
        %add3A_718 = arith.constant 432 : i32
        %add3A_719 = vector.broadcast %add3A_718 : i32 to vector<16xi32>
        %add3A_720 = arith.addi %add3A_719, %iota3A : vector<16xi32>
        %select_n3A_721 = arith.select %gt3A_716, %add3A_720, %select_n3A_700 : vector<16xi1>, vector<16xi32>
        %get3A_722 = arith.constant 448 : index
        %get3A_723 = tpu.vector_load %arg4[%get3A_722] {strides = array<i32>} : memref<32768xf32, #tpu.memory_space<vmem>>, vector<16xf32>,
        %sub3A_724 = arith.subf %get3A_723, %broadcast_in_dim3A_141 : vector<16xf32>
        %get3A_725 = arith.constant 448 : index
        %get3A_726 = tpu.vector_load %arg5[%get3A_725] {strides = array<i32>} : memref<32768xf32, #tpu.memory_space<vmem>>, vector<16xf32>,
        %sub3A_727 = arith.subf %get3A_726, %broadcast_in_dim3A_142 : vector<16xf32>
        %get3A_728 = arith.constant 448 : index
        %get3A_729 = tpu.vector_load %arg6[%get3A_728] {strides = array<i32>} : memref<32768xf32, #tpu.memory_space<vmem>>, vector<16xf32>,
        %sub3A_730 = arith.subf %get3A_729, %broadcast_in_dim3A_143 : vector<16xf32>
        %mul3A_731 = arith.mulf %sub3A_724, %sub3A_724 : vector<16xf32>
        %mul3A_732 = arith.mulf %sub3A_727, %sub3A_727 : vector<16xf32>
        %add3A_733 = arith.addf %mul3A_731, %mul3A_732 : vector<16xf32>
        %mul3A_734 = arith.mulf %sub3A_730, %sub3A_730 : vector<16xf32>
        %add3A_735 = arith.addf %add3A_733, %mul3A_734 : vector<16xf32>
        %min3A_736 = arith.minimumf %scan3A_132, %add3A_735 : vector<16xf32>
        %gt3A_737 = arith.cmpf ogt, %min3A_736, %select_n3A_717 : vector<16xf32>
        %select_n3A_738 = arith.select %gt3A_737, %min3A_736, %select_n3A_717 : vector<16xi1>, vector<16xf32>
        %add3A_739 = arith.constant 448 : i32
        %add3A_740 = vector.broadcast %add3A_739 : i32 to vector<16xi32>
        %add3A_741 = arith.addi %add3A_740, %iota3A : vector<16xi32>
        %select_n3A_742 = arith.select %gt3A_737, %add3A_741, %select_n3A_721 : vector<16xi1>, vector<16xi32>
        %get3A_743 = arith.constant 464 : index
        %get3A_744 = tpu.vector_load %arg4[%get3A_743] {strides = array<i32>} : memref<32768xf32, #tpu.memory_space<vmem>>, vector<16xf32>,
        %sub3A_745 = arith.subf %get3A_744, %broadcast_in_dim3A_141 : vector<16xf32>
        %get3A_746 = arith.constant 464 : index
        %get3A_747 = tpu.vector_load %arg5[%get3A_746] {strides = array<i32>} : memref<32768xf32, #tpu.memory_space<vmem>>, vector<16xf32>,
        %sub3A_748 = arith.subf %get3A_747, %broadcast_in_dim3A_142 : vector<16xf32>
        %get3A_749 = arith.constant 464 : index
        %get3A_750 = tpu.vector_load %arg6[%get3A_749] {strides = array<i32>} : memref<32768xf32, #tpu.memory_space<vmem>>, vector<16xf32>,
        %sub3A_751 = arith.subf %get3A_750, %broadcast_in_dim3A_143 : vector<16xf32>
        %mul3A_752 = arith.mulf %sub3A_745, %sub3A_745 : vector<16xf32>
        %mul3A_753 = arith.mulf %sub3A_748, %sub3A_748 : vector<16xf32>
        %add3A_754 = arith.addf %mul3A_752, %mul3A_753 : vector<16xf32>
        %mul3A_755 = arith.mulf %sub3A_751, %sub3A_751 : vector<16xf32>
        %add3A_756 = arith.addf %add3A_754, %mul3A_755 : vector<16xf32>
        %min3A_757 = arith.minimumf %scan3A_133, %add3A_756 : vector<16xf32>
        %gt3A_758 = arith.cmpf ogt, %min3A_757, %select_n3A_738 : vector<16xf32>
        %select_n3A_759 = arith.select %gt3A_758, %min3A_757, %select_n3A_738 : vector<16xi1>, vector<16xf32>
        %add3A_760 = arith.constant 464 : i32
        %add3A_761 = vector.broadcast %add3A_760 : i32 to vector<16xi32>
        %add3A_762 = arith.addi %add3A_761, %iota3A : vector<16xi32>
        %select_n3A_763 = arith.select %gt3A_758, %add3A_762, %select_n3A_742 : vector<16xi1>, vector<16xi32>
        %get3A_764 = arith.constant 480 : index
        %get3A_765 = tpu.vector_load %arg4[%get3A_764] {strides = array<i32>} : memref<32768xf32, #tpu.memory_space<vmem>>, vector<16xf32>,
        %sub3A_766 = arith.subf %get3A_765, %broadcast_in_dim3A_141 : vector<16xf32>
        %get3A_767 = arith.constant 480 : index
        %get3A_768 = tpu.vector_load %arg5[%get3A_767] {strides = array<i32>} : memref<32768xf32, #tpu.memory_space<vmem>>, vector<16xf32>,
        %sub3A_769 = arith.subf %get3A_768, %broadcast_in_dim3A_142 : vector<16xf32>
        %get3A_770 = arith.constant 480 : index
        %get3A_771 = tpu.vector_load %arg6[%get3A_770] {strides = array<i32>} : memref<32768xf32, #tpu.memory_space<vmem>>, vector<16xf32>,
        %sub3A_772 = arith.subf %get3A_771, %broadcast_in_dim3A_143 : vector<16xf32>
        %mul3A_773 = arith.mulf %sub3A_766, %sub3A_766 : vector<16xf32>
        %mul3A_774 = arith.mulf %sub3A_769, %sub3A_769 : vector<16xf32>
        %add3A_775 = arith.addf %mul3A_773, %mul3A_774 : vector<16xf32>
        %mul3A_776 = arith.mulf %sub3A_772, %sub3A_772 : vector<16xf32>
        %add3A_777 = arith.addf %add3A_775, %mul3A_776 : vector<16xf32>
        %min3A_778 = arith.minimumf %scan3A_134, %add3A_777 : vector<16xf32>
        %gt3A_779 = arith.cmpf ogt, %min3A_778, %select_n3A_759 : vector<16xf32>
        %select_n3A_780 = arith.select %gt3A_779, %min3A_778, %select_n3A_759 : vector<16xi1>, vector<16xf32>
        %add3A_781 = arith.constant 480 : i32
        %add3A_782 = vector.broadcast %add3A_781 : i32 to vector<16xi32>
        %add3A_783 = arith.addi %add3A_782, %iota3A : vector<16xi32>
        %select_n3A_784 = arith.select %gt3A_779, %add3A_783, %select_n3A_763 : vector<16xi1>, vector<16xi32>
        %get3A_785 = arith.constant 496 : index
        %get3A_786 = tpu.vector_load %arg4[%get3A_785] {strides = array<i32>} : memref<32768xf32, #tpu.memory_space<vmem>>, vector<16xf32>,
        %sub3A_787 = arith.subf %get3A_786, %broadcast_in_dim3A_141 : vector<16xf32>
        %get3A_788 = arith.constant 496 : index
        %get3A_789 = tpu.vector_load %arg5[%get3A_788] {strides = array<i32>} : memref<32768xf32, #tpu.memory_space<vmem>>, vector<16xf32>,
        %sub3A_790 = arith.subf %get3A_789, %broadcast_in_dim3A_142 : vector<16xf32>
        %get3A_791 = arith.constant 496 : index
        %get3A_792 = tpu.vector_load %arg6[%get3A_791] {strides = array<i32>} : memref<32768xf32, #tpu.memory_space<vmem>>, vector<16xf32>,
        %sub3A_793 = arith.subf %get3A_792, %broadcast_in_dim3A_143 : vector<16xf32>
        %mul3A_794 = arith.mulf %sub3A_787, %sub3A_787 : vector<16xf32>
        %mul3A_795 = arith.mulf %sub3A_790, %sub3A_790 : vector<16xf32>
        %add3A_796 = arith.addf %mul3A_794, %mul3A_795 : vector<16xf32>
        %mul3A_797 = arith.mulf %sub3A_793, %sub3A_793 : vector<16xf32>
        %add3A_798 = arith.addf %add3A_796, %mul3A_797 : vector<16xf32>
        %min3A_799 = arith.minimumf %scan3A_135, %add3A_798 : vector<16xf32>
        %gt3A_800 = arith.cmpf ogt, %min3A_799, %select_n3A_780 : vector<16xf32>
        %select_n3A_801 = arith.select %gt3A_800, %min3A_799, %select_n3A_780 : vector<16xi1>, vector<16xf32>
        %add3A_802 = arith.constant 496 : i32
        %add3A_803 = vector.broadcast %add3A_802 : i32 to vector<16xi32>
        %add3A_804 = arith.addi %add3A_803, %iota3A : vector<16xi32>
        %select_n3A_805 = arith.select %gt3A_800, %add3A_804, %select_n3A_784 : vector<16xi1>, vector<16xi32>
        %scan3A_806 = arith.constant 32 : i32
        %scan3A_807 = arith.constant 2016 : i32
        %scan3A_808 = arith.addi %scan3A_806, %scan3A_807 : i32
        %scan3A_809 = arith.constant 1 : i32
        %scan3A_810:2 = scf.for %scan3A_995 = %scan3A_806 to %scan3A_808 step %scan3A_809 iter_args(%scan3A_996 = %select_n3A_801, %scan3A_997 = %select_n3A_805) -> (vector<16xf32>, vector<16xi32>)  : i32 {
          %mul3A_998 = arith.constant 16 : i32
          %mul3A_999 = arith.muli %scan3A_995, %mul3A_998 : i32
          %get3A_1000 = arith.index_cast %mul3A_999 : i32 to index
          %get3A_1001 = tpu.vector_load %arg4[%get3A_1000] {strides = array<i32>} : memref<32768xf32, #tpu.memory_space<vmem>>, vector<16xf32>,
          %sub3A_1002 = arith.subf %get3A_1001, %broadcast_in_dim3A_141 : vector<16xf32>
          %get3A_1003 = arith.index_cast %mul3A_999 : i32 to index
          %get3A_1004 = tpu.vector_load %arg5[%get3A_1003] {strides = array<i32>} : memref<32768xf32, #tpu.memory_space<vmem>>, vector<16xf32>,
          %sub3A_1005 = arith.subf %get3A_1004, %broadcast_in_dim3A_142 : vector<16xf32>
          %get3A_1006 = arith.index_cast %mul3A_999 : i32 to index
          %get3A_1007 = tpu.vector_load %arg6[%get3A_1006] {strides = array<i32>} : memref<32768xf32, #tpu.memory_space<vmem>>, vector<16xf32>,
          %sub3A_1008 = arith.subf %get3A_1007, %broadcast_in_dim3A_143 : vector<16xf32>
          %mul3A_1009 = arith.mulf %sub3A_1002, %sub3A_1002 : vector<16xf32>
          %mul3A_1010 = arith.mulf %sub3A_1005, %sub3A_1005 : vector<16xf32>
          %add3A_1011 = arith.addf %mul3A_1009, %mul3A_1010 : vector<16xf32>
          %mul3A_1012 = arith.mulf %sub3A_1008, %sub3A_1008 : vector<16xf32>
          %add3A_1013 = arith.addf %add3A_1011, %mul3A_1012 : vector<16xf32>
          %sub3A_1014 = arith.constant 32 : i32
          %sub3A_1015 = arith.subi %scan3A_995, %sub3A_1014 : i32
          %mul3A_1016 = arith.constant 16 : i32
          %mul3A_1017 = arith.muli %sub3A_1015, %mul3A_1016 : i32
          %get3A_1018 = arith.index_cast %mul3A_1017 : i32 to index
          %get3A_1019 = tpu.vector_load %arg7[%get3A_1018] {strides = array<i32>} : memref<32256xf32, #tpu.memory_space<vmem>>, vector<16xf32>,
          %min3A_1020 = arith.minimumf %get3A_1019, %add3A_1013 : vector<16xf32>
          %swap3A = arith.index_cast %mul3A_1017 : i32 to index
          %swap3A_1021 = tpu.vector_load %arg7[%swap3A] {strides = array<i32>} : memref<32256xf32, #tpu.memory_space<vmem>>, vector<16xf32>,
          tpu.vector_store %arg7[%swap3A], %min3A_1020 {strides = array<i32>} : memref<32256xf32, #tpu.memory_space<vmem>>, vector<16xf32>,
          %gt3A_1022 = arith.cmpf ogt, %min3A_1020, %scan3A_996 : vector<16xf32>
          %select_n3A_1023 = arith.select %gt3A_1022, %min3A_1020, %scan3A_996 : vector<16xi1>, vector<16xf32>
          %mul3A_1024 = arith.constant 16 : i32
          %mul3A_1025 = arith.muli %scan3A_995, %mul3A_1024 : i32
          %add3A_1026 = vector.broadcast %mul3A_1025 : i32 to vector<16xi32>
          %add3A_1027 = arith.addi %add3A_1026, %iota3A : vector<16xi32>
          %select_n3A_1028 = arith.select %gt3A_1022, %add3A_1027, %scan3A_997 : vector<16xi1>, vector<16xi32>
          scf.yield %select_n3A_1023, %select_n3A_1028 : vector<16xf32>, vector<16xi32>
        }
        %scan3A_811 = arith.constant 2016 : i32
        %slice3A_812 = vector.extract_strided_slice %scan3A_810#0 {offsets = [0], sizes = [1], strides = [1]} : vector<16xf32> to vector<1xf32>
        %squeeze3A_813 = vector.extract %slice3A_812[0] : f32 from vector<1xf32>
        %slice3A_814 = vector.extract_strided_slice %scan3A_810#1 {offsets = [0], sizes = [1], strides = [1]} : vector<16xi32> to vector<1xi32>
        %squeeze3A_815 = vector.extract %slice3A_814[0] : i32 from vector<1xi32>
        %slice3A_816 = vector.extract_strided_slice %scan3A_810#0 {offsets = [1], sizes = [1], strides = [1]} : vector<16xf32> to vector<1xf32>
        %squeeze3A_817 = vector.extract %slice3A_816[0] : f32 from vector<1xf32>
        %slice3A_818 = vector.extract_strided_slice %scan3A_810#1 {offsets = [1], sizes = [1], strides = [1]} : vector<16xi32> to vector<1xi32>
        %squeeze3A_819 = vector.extract %slice3A_818[0] : i32 from vector<1xi32>
        %gt3A_820 = arith.cmpf ogt, %squeeze3A_817, %squeeze3A_813 : f32
        %eq3A_821 = arith.cmpf oeq, %squeeze3A_817, %squeeze3A_813 : f32
        %lt3A_822 = arith.cmpi slt, %squeeze3A_819, %squeeze3A_815 : i32
        %and3A = arith.andi %eq3A_821, %lt3A_822 : i1
        %or3A = arith.ori %gt3A_820, %and3A : i1
        %select_n3A_823 = arith.select %or3A, %squeeze3A_817, %squeeze3A_813 : f32
        %select_n3A_824 = arith.select %or3A, %squeeze3A_819, %squeeze3A_815 : i32
        %slice3A_825 = vector.extract_strided_slice %scan3A_810#0 {offsets = [2], sizes = [1], strides = [1]} : vector<16xf32> to vector<1xf32>
        %squeeze3A_826 = vector.extract %slice3A_825[0] : f32 from vector<1xf32>
        %slice3A_827 = vector.extract_strided_slice %scan3A_810#1 {offsets = [2], sizes = [1], strides = [1]} : vector<16xi32> to vector<1xi32>
        %squeeze3A_828 = vector.extract %slice3A_827[0] : i32 from vector<1xi32>
        %gt3A_829 = arith.cmpf ogt, %squeeze3A_826, %select_n3A_823 : f32
        %eq3A_830 = arith.cmpf oeq, %squeeze3A_826, %select_n3A_823 : f32
        %lt3A_831 = arith.cmpi slt, %squeeze3A_828, %select_n3A_824 : i32
        %and3A_832 = arith.andi %eq3A_830, %lt3A_831 : i1
        %or3A_833 = arith.ori %gt3A_829, %and3A_832 : i1
        %select_n3A_834 = arith.select %or3A_833, %squeeze3A_826, %select_n3A_823 : f32
        %select_n3A_835 = arith.select %or3A_833, %squeeze3A_828, %select_n3A_824 : i32
        %slice3A_836 = vector.extract_strided_slice %scan3A_810#0 {offsets = [3], sizes = [1], strides = [1]} : vector<16xf32> to vector<1xf32>
        %squeeze3A_837 = vector.extract %slice3A_836[0] : f32 from vector<1xf32>
        %slice3A_838 = vector.extract_strided_slice %scan3A_810#1 {offsets = [3], sizes = [1], strides = [1]} : vector<16xi32> to vector<1xi32>
        %squeeze3A_839 = vector.extract %slice3A_838[0] : i32 from vector<1xi32>
        %gt3A_840 = arith.cmpf ogt, %squeeze3A_837, %select_n3A_834 : f32
        %eq3A_841 = arith.cmpf oeq, %squeeze3A_837, %select_n3A_834 : f32
        %lt3A_842 = arith.cmpi slt, %squeeze3A_839, %select_n3A_835 : i32
        %and3A_843 = arith.andi %eq3A_841, %lt3A_842 : i1
        %or3A_844 = arith.ori %gt3A_840, %and3A_843 : i1
        %select_n3A_845 = arith.select %or3A_844, %squeeze3A_837, %select_n3A_834 : f32
        %select_n3A_846 = arith.select %or3A_844, %squeeze3A_839, %select_n3A_835 : i32
        %slice3A_847 = vector.extract_strided_slice %scan3A_810#0 {offsets = [4], sizes = [1], strides = [1]} : vector<16xf32> to vector<1xf32>
        %squeeze3A_848 = vector.extract %slice3A_847[0] : f32 from vector<1xf32>
        %slice3A_849 = vector.extract_strided_slice %scan3A_810#1 {offsets = [4], sizes = [1], strides = [1]} : vector<16xi32> to vector<1xi32>
        %squeeze3A_850 = vector.extract %slice3A_849[0] : i32 from vector<1xi32>
        %gt3A_851 = arith.cmpf ogt, %squeeze3A_848, %select_n3A_845 : f32
        %eq3A_852 = arith.cmpf oeq, %squeeze3A_848, %select_n3A_845 : f32
        %lt3A_853 = arith.cmpi slt, %squeeze3A_850, %select_n3A_846 : i32
        %and3A_854 = arith.andi %eq3A_852, %lt3A_853 : i1
        %or3A_855 = arith.ori %gt3A_851, %and3A_854 : i1
        %select_n3A_856 = arith.select %or3A_855, %squeeze3A_848, %select_n3A_845 : f32
        %select_n3A_857 = arith.select %or3A_855, %squeeze3A_850, %select_n3A_846 : i32
        %slice3A_858 = vector.extract_strided_slice %scan3A_810#0 {offsets = [5], sizes = [1], strides = [1]} : vector<16xf32> to vector<1xf32>
        %squeeze3A_859 = vector.extract %slice3A_858[0] : f32 from vector<1xf32>
        %slice3A_860 = vector.extract_strided_slice %scan3A_810#1 {offsets = [5], sizes = [1], strides = [1]} : vector<16xi32> to vector<1xi32>
        %squeeze3A_861 = vector.extract %slice3A_860[0] : i32 from vector<1xi32>
        %gt3A_862 = arith.cmpf ogt, %squeeze3A_859, %select_n3A_856 : f32
        %eq3A_863 = arith.cmpf oeq, %squeeze3A_859, %select_n3A_856 : f32
        %lt3A_864 = arith.cmpi slt, %squeeze3A_861, %select_n3A_857 : i32
        %and3A_865 = arith.andi %eq3A_863, %lt3A_864 : i1
        %or3A_866 = arith.ori %gt3A_862, %and3A_865 : i1
        %select_n3A_867 = arith.select %or3A_866, %squeeze3A_859, %select_n3A_856 : f32
        %select_n3A_868 = arith.select %or3A_866, %squeeze3A_861, %select_n3A_857 : i32
        %slice3A_869 = vector.extract_strided_slice %scan3A_810#0 {offsets = [6], sizes = [1], strides = [1]} : vector<16xf32> to vector<1xf32>
        %squeeze3A_870 = vector.extract %slice3A_869[0] : f32 from vector<1xf32>
        %slice3A_871 = vector.extract_strided_slice %scan3A_810#1 {offsets = [6], sizes = [1], strides = [1]} : vector<16xi32> to vector<1xi32>
        %squeeze3A_872 = vector.extract %slice3A_871[0] : i32 from vector<1xi32>
        %gt3A_873 = arith.cmpf ogt, %squeeze3A_870, %select_n3A_867 : f32
        %eq3A_874 = arith.cmpf oeq, %squeeze3A_870, %select_n3A_867 : f32
        %lt3A_875 = arith.cmpi slt, %squeeze3A_872, %select_n3A_868 : i32
        %and3A_876 = arith.andi %eq3A_874, %lt3A_875 : i1
        %or3A_877 = arith.ori %gt3A_873, %and3A_876 : i1
        %select_n3A_878 = arith.select %or3A_877, %squeeze3A_870, %select_n3A_867 : f32
        %select_n3A_879 = arith.select %or3A_877, %squeeze3A_872, %select_n3A_868 : i32
        %slice3A_880 = vector.extract_strided_slice %scan3A_810#0 {offsets = [7], sizes = [1], strides = [1]} : vector<16xf32> to vector<1xf32>
        %squeeze3A_881 = vector.extract %slice3A_880[0] : f32 from vector<1xf32>
        %slice3A_882 = vector.extract_strided_slice %scan3A_810#1 {offsets = [7], sizes = [1], strides = [1]} : vector<16xi32> to vector<1xi32>
        %squeeze3A_883 = vector.extract %slice3A_882[0] : i32 from vector<1xi32>
        %gt3A_884 = arith.cmpf ogt, %squeeze3A_881, %select_n3A_878 : f32
        %eq3A_885 = arith.cmpf oeq, %squeeze3A_881, %select_n3A_878 : f32
        %lt3A_886 = arith.cmpi slt, %squeeze3A_883, %select_n3A_879 : i32
        %and3A_887 = arith.andi %eq3A_885, %lt3A_886 : i1
        %or3A_888 = arith.ori %gt3A_884, %and3A_887 : i1
        %select_n3A_889 = arith.select %or3A_888, %squeeze3A_881, %select_n3A_878 : f32
        %select_n3A_890 = arith.select %or3A_888, %squeeze3A_883, %select_n3A_879 : i32
        %slice3A_891 = vector.extract_strided_slice %scan3A_810#0 {offsets = [8], sizes = [1], strides = [1]} : vector<16xf32> to vector<1xf32>
        %squeeze3A_892 = vector.extract %slice3A_891[0] : f32 from vector<1xf32>
        %slice3A_893 = vector.extract_strided_slice %scan3A_810#1 {offsets = [8], sizes = [1], strides = [1]} : vector<16xi32> to vector<1xi32>
        %squeeze3A_894 = vector.extract %slice3A_893[0] : i32 from vector<1xi32>
        %gt3A_895 = arith.cmpf ogt, %squeeze3A_892, %select_n3A_889 : f32
        %eq3A_896 = arith.cmpf oeq, %squeeze3A_892, %select_n3A_889 : f32
        %lt3A_897 = arith.cmpi slt, %squeeze3A_894, %select_n3A_890 : i32
        %and3A_898 = arith.andi %eq3A_896, %lt3A_897 : i1
        %or3A_899 = arith.ori %gt3A_895, %and3A_898 : i1
        %select_n3A_900 = arith.select %or3A_899, %squeeze3A_892, %select_n3A_889 : f32
        %select_n3A_901 = arith.select %or3A_899, %squeeze3A_894, %select_n3A_890 : i32
        %slice3A_902 = vector.extract_strided_slice %scan3A_810#0 {offsets = [9], sizes = [1], strides = [1]} : vector<16xf32> to vector<1xf32>
        %squeeze3A_903 = vector.extract %slice3A_902[0] : f32 from vector<1xf32>
        %slice3A_904 = vector.extract_strided_slice %scan3A_810#1 {offsets = [9], sizes = [1], strides = [1]} : vector<16xi32> to vector<1xi32>
        %squeeze3A_905 = vector.extract %slice3A_904[0] : i32 from vector<1xi32>
        %gt3A_906 = arith.cmpf ogt, %squeeze3A_903, %select_n3A_900 : f32
        %eq3A_907 = arith.cmpf oeq, %squeeze3A_903, %select_n3A_900 : f32
        %lt3A_908 = arith.cmpi slt, %squeeze3A_905, %select_n3A_901 : i32
        %and3A_909 = arith.andi %eq3A_907, %lt3A_908 : i1
        %or3A_910 = arith.ori %gt3A_906, %and3A_909 : i1
        %select_n3A_911 = arith.select %or3A_910, %squeeze3A_903, %select_n3A_900 : f32
        %select_n3A_912 = arith.select %or3A_910, %squeeze3A_905, %select_n3A_901 : i32
        %slice3A_913 = vector.extract_strided_slice %scan3A_810#0 {offsets = [10], sizes = [1], strides = [1]} : vector<16xf32> to vector<1xf32>
        %squeeze3A_914 = vector.extract %slice3A_913[0] : f32 from vector<1xf32>
        %slice3A_915 = vector.extract_strided_slice %scan3A_810#1 {offsets = [10], sizes = [1], strides = [1]} : vector<16xi32> to vector<1xi32>
        %squeeze3A_916 = vector.extract %slice3A_915[0] : i32 from vector<1xi32>
        %gt3A_917 = arith.cmpf ogt, %squeeze3A_914, %select_n3A_911 : f32
        %eq3A_918 = arith.cmpf oeq, %squeeze3A_914, %select_n3A_911 : f32
        %lt3A_919 = arith.cmpi slt, %squeeze3A_916, %select_n3A_912 : i32
        %and3A_920 = arith.andi %eq3A_918, %lt3A_919 : i1
        %or3A_921 = arith.ori %gt3A_917, %and3A_920 : i1
        %select_n3A_922 = arith.select %or3A_921, %squeeze3A_914, %select_n3A_911 : f32
        %select_n3A_923 = arith.select %or3A_921, %squeeze3A_916, %select_n3A_912 : i32
        %slice3A_924 = vector.extract_strided_slice %scan3A_810#0 {offsets = [11], sizes = [1], strides = [1]} : vector<16xf32> to vector<1xf32>
        %squeeze3A_925 = vector.extract %slice3A_924[0] : f32 from vector<1xf32>
        %slice3A_926 = vector.extract_strided_slice %scan3A_810#1 {offsets = [11], sizes = [1], strides = [1]} : vector<16xi32> to vector<1xi32>
        %squeeze3A_927 = vector.extract %slice3A_926[0] : i32 from vector<1xi32>
        %gt3A_928 = arith.cmpf ogt, %squeeze3A_925, %select_n3A_922 : f32
        %eq3A_929 = arith.cmpf oeq, %squeeze3A_925, %select_n3A_922 : f32
        %lt3A_930 = arith.cmpi slt, %squeeze3A_927, %select_n3A_923 : i32
        %and3A_931 = arith.andi %eq3A_929, %lt3A_930 : i1
        %or3A_932 = arith.ori %gt3A_928, %and3A_931 : i1
        %select_n3A_933 = arith.select %or3A_932, %squeeze3A_925, %select_n3A_922 : f32
        %select_n3A_934 = arith.select %or3A_932, %squeeze3A_927, %select_n3A_923 : i32
        %slice3A_935 = vector.extract_strided_slice %scan3A_810#0 {offsets = [12], sizes = [1], strides = [1]} : vector<16xf32> to vector<1xf32>
        %squeeze3A_936 = vector.extract %slice3A_935[0] : f32 from vector<1xf32>
        %slice3A_937 = vector.extract_strided_slice %scan3A_810#1 {offsets = [12], sizes = [1], strides = [1]} : vector<16xi32> to vector<1xi32>
        %squeeze3A_938 = vector.extract %slice3A_937[0] : i32 from vector<1xi32>
        %gt3A_939 = arith.cmpf ogt, %squeeze3A_936, %select_n3A_933 : f32
        %eq3A_940 = arith.cmpf oeq, %squeeze3A_936, %select_n3A_933 : f32
        %lt3A_941 = arith.cmpi slt, %squeeze3A_938, %select_n3A_934 : i32
        %and3A_942 = arith.andi %eq3A_940, %lt3A_941 : i1
        %or3A_943 = arith.ori %gt3A_939, %and3A_942 : i1
        %select_n3A_944 = arith.select %or3A_943, %squeeze3A_936, %select_n3A_933 : f32
        %select_n3A_945 = arith.select %or3A_943, %squeeze3A_938, %select_n3A_934 : i32
        %slice3A_946 = vector.extract_strided_slice %scan3A_810#0 {offsets = [13], sizes = [1], strides = [1]} : vector<16xf32> to vector<1xf32>
        %squeeze3A_947 = vector.extract %slice3A_946[0] : f32 from vector<1xf32>
        %slice3A_948 = vector.extract_strided_slice %scan3A_810#1 {offsets = [13], sizes = [1], strides = [1]} : vector<16xi32> to vector<1xi32>
        %squeeze3A_949 = vector.extract %slice3A_948[0] : i32 from vector<1xi32>
        %gt3A_950 = arith.cmpf ogt, %squeeze3A_947, %select_n3A_944 : f32
        %eq3A_951 = arith.cmpf oeq, %squeeze3A_947, %select_n3A_944 : f32
        %lt3A_952 = arith.cmpi slt, %squeeze3A_949, %select_n3A_945 : i32
        %and3A_953 = arith.andi %eq3A_951, %lt3A_952 : i1
        %or3A_954 = arith.ori %gt3A_950, %and3A_953 : i1
        %select_n3A_955 = arith.select %or3A_954, %squeeze3A_947, %select_n3A_944 : f32
        %select_n3A_956 = arith.select %or3A_954, %squeeze3A_949, %select_n3A_945 : i32
        %slice3A_957 = vector.extract_strided_slice %scan3A_810#0 {offsets = [14], sizes = [1], strides = [1]} : vector<16xf32> to vector<1xf32>
        %squeeze3A_958 = vector.extract %slice3A_957[0] : f32 from vector<1xf32>
        %slice3A_959 = vector.extract_strided_slice %scan3A_810#1 {offsets = [14], sizes = [1], strides = [1]} : vector<16xi32> to vector<1xi32>
        %squeeze3A_960 = vector.extract %slice3A_959[0] : i32 from vector<1xi32>
        %gt3A_961 = arith.cmpf ogt, %squeeze3A_958, %select_n3A_955 : f32
        %eq3A_962 = arith.cmpf oeq, %squeeze3A_958, %select_n3A_955 : f32
        %lt3A_963 = arith.cmpi slt, %squeeze3A_960, %select_n3A_956 : i32
        %and3A_964 = arith.andi %eq3A_962, %lt3A_963 : i1
        %or3A_965 = arith.ori %gt3A_961, %and3A_964 : i1
        %select_n3A_966 = arith.select %or3A_965, %squeeze3A_958, %select_n3A_955 : f32
        %select_n3A_967 = arith.select %or3A_965, %squeeze3A_960, %select_n3A_956 : i32
        %slice3A_968 = vector.extract_strided_slice %scan3A_810#0 {offsets = [15], sizes = [1], strides = [1]} : vector<16xf32> to vector<1xf32>
        %squeeze3A_969 = vector.extract %slice3A_968[0] : f32 from vector<1xf32>
        %slice3A_970 = vector.extract_strided_slice %scan3A_810#1 {offsets = [15], sizes = [1], strides = [1]} : vector<16xi32> to vector<1xi32>
        %squeeze3A_971 = vector.extract %slice3A_970[0] : i32 from vector<1xi32>
        %gt3A_972 = arith.cmpf ogt, %squeeze3A_969, %select_n3A_966 : f32
        %eq3A_973 = arith.cmpf oeq, %squeeze3A_969, %select_n3A_966 : f32
        %lt3A_974 = arith.cmpi slt, %squeeze3A_971, %select_n3A_967 : i32
        %and3A_975 = arith.andi %eq3A_973, %lt3A_974 : i1
        %or3A_976 = arith.ori %gt3A_972, %and3A_975 : i1
        %select_n3A_977 = arith.select %or3A_976, %squeeze3A_969, %select_n3A_966 : f32
        %select_n3A_978 = arith.select %or3A_976, %squeeze3A_971, %select_n3A_967 : i32
        %broadcast_in_dim3A_979 = vector.broadcast %select_n3A_978 : i32 to vector<16xi32>
        %gather3A = tpu.vector_load_idx %arg4[%broadcast_in_dim3A_979] : memref<32768xf32, #tpu.memory_space<vmem>>[vector<16xi32>], vector<16xf32>,
        %slice3A_980 = vector.extract_strided_slice %gather3A {offsets = [0], sizes = [1], strides = [1]} : vector<16xf32> to vector<1xf32>
        %squeeze3A_981 = vector.extract %slice3A_980[0] : f32 from vector<1xf32>
        %gather3A_982 = tpu.vector_load_idx %arg5[%broadcast_in_dim3A_979] : memref<32768xf32, #tpu.memory_space<vmem>>[vector<16xi32>], vector<16xf32>,
        %slice3A_983 = vector.extract_strided_slice %gather3A_982 {offsets = [0], sizes = [1], strides = [1]} : vector<16xf32> to vector<1xf32>
        %squeeze3A_984 = vector.extract %slice3A_983[0] : f32 from vector<1xf32>
        %gather3A_985 = tpu.vector_load_idx %arg6[%broadcast_in_dim3A_979] : memref<32768xf32, #tpu.memory_space<vmem>>[vector<16xi32>], vector<16xf32>,
        %slice3A_986 = vector.extract_strided_slice %gather3A_985 {offsets = [0], sizes = [1], strides = [1]} : vector<16xf32> to vector<1xf32>
        %squeeze3A_987 = vector.extract %slice3A_986[0] : f32 from vector<1xf32>
        %rem3A_988 = arith.constant 8 : i32
        %rem3A_989 = arith.remsi %scan3A_99, %rem3A_988 : i32
        %eq3A_990 = arith.constant 7 : i32
        %eq3A_991 = arith.cmpi eq, %rem3A_989, %eq3A_990 : i32
        %convert_element_type3A_992 = arith.extui %eq3A_991 : i1 to i32
        %cond3A_993 = arith.constant 0 : i32
        %cond3A_994 = arith.cmpi ne, %convert_element_type3A_992, %cond3A_993 : i32
        scf.if %cond3A_994 {
          %mul3A_995 = arith.constant 512 : i32
          %mul3A_996 = arith.muli %add3A, %mul3A_995 : i32
          %sub3A_997 = arith.constant 7 : i32
          %sub3A_998 = arith.subi %scan3A_99, %sub3A_997 : i32
          %add3A_999 = arith.addi %mul3A_996, %sub3A_998 : i32
          %multiple_of3A = tpu.assume_multiple %add3A_999, 8 : i32
          "tpu.region"() ({
            %run_scoped3A = tpu.sem_alloc : memref<!tpu.dma_semaphore, #tpu.memory_space<semaphore_mem>>
            %dma_start3A = tpu.memref_slice %arg3[%multiple_of3A] : memref<4096xi32, #tpu.memory_space<hbm>> -> memref<8xi32, #tpu.memory_space<hbm>>
            %dma_start3A_1000 = tpu.memref_slice %arg3[%multiple_of3A] : memref<4096xi32, #tpu.memory_space<hbm>> -> memref<8xi32, #tpu.memory_space<hbm>>
            tpu.enqueue_dma source(%arg8 : memref<8xi32, #tpu.memory_space<vmem>>) target(%dma_start3A_1000 : memref<8xi32, #tpu.memory_space<hbm>>) target_semaphore(%run_scoped3A : memref<!tpu.dma_semaphore, #tpu.memory_space<semaphore_mem>>)
            %dma_wait3A = tpu.memref_slice %arg3[%multiple_of3A] : memref<4096xi32, #tpu.memory_space<hbm>> -> memref<8xi32, #tpu.memory_space<hbm>>
            %dma_wait3A_1001 = tpu.memref_slice %arg3[%multiple_of3A] : memref<4096xi32, #tpu.memory_space<hbm>> -> memref<8xi32, #tpu.memory_space<hbm>>
            tpu.wait_dma2 semaphore(%run_scoped3A : memref<!tpu.dma_semaphore, #tpu.memory_space<semaphore_mem>>) src(%arg8 : memref<8xi32, #tpu.memory_space<vmem>>) dst(%dma_wait3A_1001 : memref<8xi32, #tpu.memory_space<hbm>>)
            tpu.yield
          }) : () -> ()
        } else {
        }
        scf.yield %select_n3A_978, %squeeze3A_981, %squeeze3A_984, %squeeze3A_987, %min3A, %min3A_171, %min3A_190, %min3A_211, %min3A_232, %min3A_253, %min3A_274, %min3A_295, %min3A_316, %min3A_337, %min3A_358, %min3A_379, %min3A_400, %min3A_421, %min3A_442, %min3A_463, %min3A_484, %min3A_505, %min3A_526, %min3A_547, %min3A_568, %min3A_589, %min3A_610, %min3A_631, %min3A_652, %min3A_673, %min3A_694, %min3A_715, %min3A_736, %min3A_757, %min3A_778, %min3A_799 : i32, f32, f32, f32, vector<16xf32>, vector<16xf32>, vector<16xf32>, vector<16xf32>, vector<16xf32>, vector<16xf32>, vector<16xf32>, vector<16xf32>, vector<16xf32>, vector<16xf32>, vector<16xf32>, vector<16xf32>, vector<16xf32>, vector<16xf32>, vector<16xf32>, vector<16xf32>, vector<16xf32>, vector<16xf32>, vector<16xf32>, vector<16xf32>, vector<16xf32>, vector<16xf32>, vector<16xf32>, vector<16xf32>, vector<16xf32>, vector<16xf32>, vector<16xf32>, vector<16xf32>, vector<16xf32>, vector<16xf32>, vector<16xf32>, vector<16xf32>
      }
      %scan3A_98 = arith.constant 512 : i32
    } else {
    }
    return
  }
}

</mosaic_0001>

<sc_bundles>
// kernel: kernel.3.cloned.1.call-start
scs
__scs_entry_jumppad:
0x0: {  	(pc) =	sbr.rel $0x88, $3  }
0x1: {  	(tag) =	ssettag $0x0;
	lr =	simm.s32 $0x1  }
0x2: {  	[smem:$0x3FA0] =	sst lr;
	_ =	strace $0xD0000000  }
0x3: {  	_ = 	snop  }
0x4: {  	_ = 	snop  }
0x5: {  	_ = 	snop  }
0x6: {  	_ = 	snop  }
0x7: {  	_ = 	snop  }
__scs_overlays_trampoline_lowered:
0x8: {  	[smem:$0x3FAF] =	sst s0  }
0x9: {  	[smem:$0x3FB0] =	sst s1  }
0xa: {  	[smem:$0x3FB1] =	sst s2  }
0xb: {  	[smem:$0x3FB2] =	sst s3  }
0xc: {  	[smem:$0x3FB3] =	sst s4  }
0xd: {  	[smem:$0x3FB4] =	sst s5  }
0xe: {  	[smem:$0x3FB5] =	sst s6  }
0xf: {  	[smem:$0x3FB6] =	sst s7  }
0x10: {  	[smem:$0x3FB7] =	sst s8  }
0x11: {  	[smem:$0x3FB8] =	sst s9;
	s0 =	simm.s32 @!p0 $0x0  }
0x12: {  	s1 =	sld [smem:$0x3F9E];
	s0 =	simm.s32 @p0 $0x1  }
0x13: {  	[smem:$0x3FB9] =	sst s0;
	s0 =	simm.s32 @!p1 $0x0  }
0x14: {  	s2 =	sld [smem:$0x3F9D];
	s0 =	simm.s32 @p1 $0x1  }
0x15: {  	[smem:$0x3FBA] =	sst s0;
	s0 =	simm.s32 @!p2 $0x0  }
0x16: {  	s3 =	sld [smem:$0x3FDB];
	s0 =	simm.s32 @p2 $0x1  }
0x17: {  	s4 =	simm.s32 $0x1BF5;
	[smem:$0x3FBC] =	sst s0  }
0x18: {  	s0 =	sld [smem:$0x3F9F];
	_ =	swait.ge [sflag:s4], $0x0  }
0x19: {  	s7 =	sld [smem:$0x3FA0]  }
0x1a: {  	s8 =	sadd.s32 $0xFFFFE003, lr  }
0x1b: {  	s9 =	sadd.s32 $0xFFFFFEF7, lr;
	s5 =	simm.s32 $0xFFFFFFFF;
	p2 =	slt.u32 s8, $0xFFFFF086  }
0x1c: {  	p1 =	slt.u32 s9, $0xF7A;
	s5 =	simm.s32 @!p2 $0x0  }
0x1d: {  	s5 =	simm.s32 @p1 $0x1;
	p0 =	seq.s32 s7, s2  }
0x1e: {  	s7 =	smul.u32 @!p0 $0xF7A, s2;
	p2 =	seq.s32 @!p0 s5, $0x0  }
0x1f: {  	s9 =	smul.u32 $0xF7A, s1;
	s8 =	simm.s32 @!p0 $0x1BF5;
	p2 =	por !p2, p0  }
0x20: {  	[sflag:s8] =	ssyncset.s32 @!p0 $0xFFFFF086;
	s6 =	sadd.s32 @!p0 s3, s7;
	s7 =	simm.s32 @!p0 $0x108  }
0x21: {  	s3 =	sadd.s32 s3, s9;
	s6 =	sadd.s32 @!p0 $0x88, s6;
	s7 =	simm.s32 @p2 $0x1082  }
0x22: {  	[simem:s7], [sflag:s8] =	dma.local @!p0 [hbm:s6], $0xF7A  }
0x23: {  	s9 =	sor.u32 $0xD0000000, s2;
	s6 =	simm.s32 $0x108;
	_ =	swait.ge @!p0 [sflag:s8], $0x0  }
0x24: {  	s3 =	sadd.s32 $0x88, s3;
	s6 =	simm.s32 @!p1 $0x1082;
	[sflag:s4] =	ssyncset.s32 $0xFFFFF086  }
0x25: {  	[simem:s6], [sflag:s4] =	dma.local [hbm:s3], $0xF7A  }
0x26: {  	[smem:$0x3FA0] =	sst s1;
	(tag) =	ssettag s2;
	_ =	strace s9  }
0x27: {  	s1 =	sld [smem:$0x3FB0]  }
0x28: {  	s2 =	sld [smem:$0x3FB1]  }
0x29: {  	s4 =	sld [smem:$0x3FB3]  }
0x2a: {  	p0 =	seq.s32 s5, $0x0;
	s5 =	sld [smem:$0x3FB4]  }
0x2b: {  	s6 =	sld [smem:$0x3FB5]  }
0x2c: {  	s7 =	sld [smem:$0x3FB6]  }
0x2d: {  	s3 =	simm.s32 $0x108;
	s8 =	sld [smem:$0x3FB7]  }
0x2e: {  	s3 =	simm.s32 @!p0 $0x1082;
	s9 =	sld [smem:$0x3FB8]  }
0x2f: {  	lr =	sadd.s32 s0, s3;
	s0 =	sld [smem:$0x3FAF]  }
0x30: {  	s3 =	sld [smem:$0x3FB2]  }
0x31: {  	[smem:$0x3FBB] =	sst s10  }
0x32: {  	s10 =	sld [smem:$0x3FB9];
	_ =	sdelay $0x3  }
0x33: {  	p0 =	seq.s32 s10, $0x1;
	s10 =	sld [smem:$0x3FBB];
	_ =	sdelay $0x3  }
0x34: {  	[smem:$0x3FBB] =	sst s10  }
0x35: {  	s10 =	sld [smem:$0x3FBA];
	_ =	sdelay $0x3  }
0x36: {  	p1 =	seq.s32 s10, $0x1;
	s10 =	sld [smem:$0x3FBB];
	_ =	sdelay $0x3  }
0x37: {  	[smem:$0x3FBB] =	sst s10  }
0x38: {  	s10 =	sld [smem:$0x3FBC]  }
0x39: {  	_ = 	snop;
	(pc) =	sbr.ind lr, $3  }
0x3a: {  	_ = 	snop  }
0x3b: {  	_ = 	snop  }
0x3c: {  	p2 =	seq.s32 s10, $0x1;
	s10 =	sld [smem:$0x3FBB]  }
0x3d: {  	_ =	shalt  }
0x3e: {  	_ =	shalt  }
0x3f: {  	_ =	shalt  }
0x40: {  	_ =	shalt  }
0x41: {  	_ =	shalt  }
0x42: {  	_ =	shalt  }
0x43: {  	_ =	shalt  }
0x44: {  	_ =	shalt  }
0x45: {  	_ =	shalt  }
0x46: {  	_ =	shalt  }
0x47: {  	_ =	shalt  }
0x48: {  	_ =	shalt  }
0x49: {  	_ =	shalt  }
0x4a: {  	_ =	shalt  }
0x4b: {  	_ =	shalt  }
0x4c: {  	_ =	shalt  }
0x4d: {  	_ =	shalt  }
0x4e: {  	_ =	shalt  }
0x4f: {  	_ =	shalt  }
0x50: {  	_ =	shalt  }
0x51: {  	_ =	shalt  }
0x52: {  	_ =	shalt  }
0x53: {  	_ =	shalt  }
0x54: {  	_ =	shalt  }
0x55: {  	_ =	shalt  }
0x56: {  	_ =	shalt  }
0x57: {  	_ =	shalt  }
0x58: {  	_ =	shalt  }
0x59: {  	_ =	shalt  }
0x5a: {  	_ =	shalt  }
0x5b: {  	_ =	shalt  }
0x5c: {  	_ =	shalt  }
0x5d: {  	_ =	shalt  }
0x5e: {  	_ =	shalt  }
0x5f: {  	_ =	shalt  }
0x60: {  	_ =	shalt  }
0x61: {  	_ =	shalt  }
0x62: {  	_ =	shalt  }
0x63: {  	_ =	shalt  }
0x64: {  	_ =	shalt  }
0x65: {  	_ =	shalt  }
0x66: {  	_ =	shalt  }
0x67: {  	_ =	shalt  }
0x68: {  	_ =	shalt  }
0x69: {  	_ =	shalt  }
0x6a: {  	_ =	shalt  }
0x6b: {  	_ =	shalt  }
0x6c: {  	_ =	shalt  }
0x6d: {  	_ =	shalt  }
0x6e: {  	_ =	shalt  }
0x6f: {  	_ =	shalt  }
0x70: {  	_ =	shalt  }
0x71: {  	_ =	shalt  }
0x72: {  	_ =	shalt  }
0x73: {  	_ =	shalt  }
0x74: {  	_ =	shalt  }
0x75: {  	_ =	shalt  }
0x76: {  	_ =	shalt  }
0x77: {  	_ =	shalt  }
0x78: {  	_ =	shalt  }
0x79: {  	_ =	shalt  }
0x7a: {  	_ =	shalt  }
0x7b: {  	_ =	shalt  }
0x7c: {  	_ =	shalt  }
0x7d: {  	_ =	shalt  }
0x7e: {  	_ =	shalt  }
0x7f: {  	_ =	shalt  }
0x80: {  	_ =	shalt  }
0x81: {  	_ =	shalt  }
0x82: {  	_ =	shalt  }
0x83: {  	_ =	shalt  }
0x84: {  	_ =	shalt  }
0x85: {  	_ =	shalt  }
0x86: {  	_ =	shalt  }
0x87: {  	_ =	shalt  }
.Lfunc_end0:
.L_simem_size_0:
called_computation_lowered:
.L_overlay_start_0:
0x88: {  	s2 =	sld [smem:$0x3FD9]  }
0x89: {  	s3 =	sld [smem:$0x3FFE];
	_ =	sdelay $0x1  }
0x8a: {  	s1 =	srdreg.scid  }
0x8b: {  	s0 =	sand.u32 $0x1, s1  }
0x8c: {  	s16 =	sshll.u32 s0, $0xA;
	s2 =	sadd.s32 s3, s2  }
0x8d: {  	s2 =	sadd.s32 s2, s16  }
0x8e: {  	[smem:$0x3FC7] =	sst s2  }
0x8f: {  	_ = 	snop  }
0x90: {  	(tm) =	ssettm $0x1  }
0x91: {  	s17 =	sld [smem:$0x3FFB];
	_ =	sdelay $0x3  }
0x92: {  	_ =	strace s17  }
0x93: {  	s2 =	sld [smem:$0x3FFC];
	_ =	sdelay $0x3  }
0x94: {  	_ =	strace s2  }
0x95: {  	s2 =	sld [smem:$0x3FFD];
	_ =	sdelay $0x3  }
0x96: {  	_ =	strace s2  }
0x97: {  	_ =	strace $0x8FFFFFFF  }
0x98: {  	s18 =	sld [smem:$0x3FDB];
	_ =	sdelay $0x1  }
0x99: {  	s19 =	simm.s32 $_scs_section_size  }
0x9a: {  	s4 =	simm.s32 $_size__tile_overlayer_lowered;
	s5 =	simm.s32 $_tile_overlayer_lowered  }
0x9b: {  	s22 =	simm.s32 $0x1BFF;
	s21 =	sshll.u32 s5, $0x1;
	s2 =	sadd.s32 s19, s18  }
0x9c: {  	s6 =	simm.s32 $0x0;
	s20 =	sshll.u32 s4, $0x1;
	s4 =	sadd.s32 s21, s2  }
0x9d: {  	[timem:s6], [sflag:s22] =	dma.local [hbm:s4], s20  }
0x9e: {  	_ =	swait.ge [sflag:s22], s20  }
0x9f: {  	s3 =	ssub.s32 $0x0, s20;
	[sflag:s22] =	ssyncset.done $0x0  }
0xa0: {  	[sflag:s22] =	ssyncadd.s32 s3;
	_ =	sdelay $0x1  }
0xa1: {  	s23 =	simm.s32 $0x1B8B  }
0xa2: {  	_ =	swait.ge [sflag:s23], $0x1  }
0xa3: {  	[sflag:s23] =	ssyncset.done $0x0  }
0xa4: {  	s25 =	simm.s32 $0x1B8E;
	s24 =	sld [smem:$0x3FFE];
	[sflag:s23] =	ssyncadd.s32 $0xFFFFFFFF  }
0xa5: {  	s26 =	simm.s32 $execute0_lowered;
	[smem:$0x3FD2] =	sst s25  }
0xa6: {  	s4 =	sshll.u32 s26, $0x1;
	_ =	strace $0x80000046;
	[dreg:$0x1] =	wrdreg $0xFFFFFFFF  }
0xa7: {  	s28 =	simm.s32 $_size_execute0_lowered;
	s2 =	sadd.s32 s2, s4;
	[dreg:$0x0] =	wrdreg $0x0  }
0xa8: {  	s4 =	sshll.u32 s28, $0x1;
	[dreg:$0x2] =	wrdreg s2  }
0xa9: {  	[dreg:$0x3] =	wrdreg s4  }
0xaa: {  	[dreg:$0x4] =	wrdreg $0xC0  }
0xab: {  	_ =	task [dreg:s6], $0x5FFFF  }
0xac: {  	[dreg:$0x1] =	wrdreg $0xFFFFFFFF  }
0xad: {  	[dreg:$0x0] =	wrdreg $0x60  }
0xae: {  	[dreg:$0x2] =	wrdreg s24  }
0xaf: {  	[dreg:$0x3] =	wrdreg $0x9  }
0xb0: {  	_ =	task.clear_ibuf [dreg:s6], $0x4FFFF;
	_ =	strace $0x90000046  }
0xb1: {  	s29 =	simm.s32 $0x9;
	_ =	strace $0x80000048  }
0xb2: {  	_ =	swait.ge [sflag:s29], $0x1  }
0xb3: {  	[sflag:s29] =	ssyncadd.s32 $0xFFFFFFFF  }
0xb4: {  	_ =	strace $0x90000048  }
0xb5: {  	_ =	sfence  }
0xb6: {  	s30 =	sld [smem:$0x0];
	_ =	sdelay $0x2  }
0xb7: {  	s31 =	sshll.u32 s1, $0xD;
	s1 =	sshrl.u32 s1, $0x2  }
0xb8: {  	s3 =	sand.u32 $0x4000, s31;
	s1 =	sadd.s32 s1, s30  }
0xb9: {  	s0 =	sor.u32 s3, s0;
	s1 =	sshll.u32 s1, $0x11  }
0xba: {  	s0 =	sor.u32 s1, s0  }
0xbb: {  	s0 =	sadd.s32 $0x8F2B, s0  }
0xbc: {  	[sflag:s0] =	ssyncadd.remote.s32 $0x1  }
0xbd: {  	_ =	sfence.sel $0xFFFF  }
0xbe: {  	[dreg:$0x0] =	wrdreg $0xFFFFFFFF;
	(pc) =	sbr.abs _section_cstart, $3  }
0xbf: {  	[dreg:$0x1] =	wrdreg $0xFFFFFFFF  }
0xc0: {  	_ =	task.clear_ibuf [dreg:s6], $0x2FFFF;
	_ =	strace $0x9FFFFFFF  }
0xc1: {  	(tm) =	ssettm $0x7FFFFFFF  }
tec
execute0_lowered:
.L_overlay_start_1:
0x0: {  	(tag) =	ssettag $0x1  }
0x1: {  	s0 =	srdreg.scid  }
0x2: {  	s5 =	sand.u32 $0x1, s0  }
0x3: {  	s1 =	stileid.u32;
	s4 =	sshll.u32 s5, $0x4  }
0x4: {  	s6 =	sor.u32 s1, s4  }
0x5: {  	p0 =	sgt.u32 s6, $0x7  }
.Ltmp0:
0x6: {  	_ = 	snop;
	(pc) =	sbr.rel @p0 .LBB2_9-.Ltmp0, $4  }
0x7: {  	_ = 	snop  }
0x8: {  	s3 =	rddreg [dreg:$0x0];
	s2 =	simm.s32 $0x0  }
0x9: {  	[smem:$0x7FF] =	sst s2  }
0xa: {  	s0 =	rddreg [dreg:$0x1];
	_ =	strace $0x80000047  }
0xb: {  	v0 =	vlaneseq.u32  }
0xc: {  	v2 =	vor.u32 $0x10, v0  }
0xd: {  	[tilespmem:$0x1FED0] =	vst v2;
	v2 =	vor.u32 $0x20, v0  }
0xe: {  	[tilespmem:$0x1FEE0] =	vst v2;
	v2 =	vor.u32 $0x30, v0  }
0xf: {  	[tilespmem:$0x1FEF0] =	vst v2;
	v2 =	vor.u32 $0x40, v0  }
0x10: {  	[tilespmem:$0x1FF00] =	vst v2;
	v2 =	vor.u32 $0x50, v0  }
0x11: {  	[tilespmem:$0x1FF10] =	vst v2;
	v2 =	vor.u32 $0x60, v0  }
0x12: {  	[tilespmem:$0x1FF20] =	vst v2;
	v2 =	vor.u32 $0x70, v0  }
0x13: {  	[tilespmem:$0x1FF30] =	vst v2;
	v2 =	vor.u32 $0x80, v0  }
0x14: {  	[tilespmem:$0x1FF40] =	vst v2;
	v2 =	vor.u32 $0x90, v0  }
0x15: {  	[tilespmem:$0x1FF50] =	vst v2;
	v2 =	vor.u32 $0xA0, v0  }
0x16: {  	[tilespmem:$0x1FF60] =	vst v2;
	v2 =	vor.u32 $0xB0, v0  }
0x17: {  	[tilespmem:$0x1FF70] =	vst v2;
	v2 =	vor.u32 $0xC0, v0  }
0x18: {  	[tilespmem:$0x1FF80] =	vst v2;
	v2 =	vor.u32 $0xD0, v0  }
0x19: {  	v1 =	vimm.f32 $1.000000000e+10;
	s4 =	smul.u32 $0x18000, s6;
	s7 =	sadd.s32 $0x400, s3;
	[tilespmem:$0x1FF90] =	vst v2;
	v2 =	vor.u32 $0xE0, v0  }
0x1a: {  	s3 =	sadd.s32 $0x18400, s3;
	s10 =	smul.u32 $0x3000, s6;
	s30 =	sshll.u32 s1, $0x9;
	v21 =	vor.u32 $0x140, v0;
	[tilespmem:$0x1FFA0] =	vst v2;
	v2 =	vor.u32 $0xF0, v0  }
0x1b: {  	s9 =	ssub.s32 $0x2, s5;
	s11 =	simm.s32 $0x10000;
	s12 =	simm.s32 $0x1FE00;
	v22 =	vor.u32 $0x150, v0;
	v23 =	vor.u32 $0x160, v0;
	[tilespmem:$0x1FFB0] =	vst v2;
	v2 =	vor.u32 $0x100, v0  }
0x1c: {  	s13 =	simm.s32 $0x0;
	s31 =	sshrl.u32 s9, $0x1;
	v24 =	vor.u32 $0x170, v0;
	v25 =	vor.u32 $0x180, v0;
	s4 =	sshrl.u32 s4, $0x3;
	[tilespmem:$0x1FFC0] =	vst v2;
	v2 =	vor.u32 $0x110, v0  }
0x1d: {  	s6 =	sadd.s32 $0xFFFFFFF9, s30;
	v26 =	vor.u32 $0x190, v0;
	v27 =	vor.u32 $0x1A0, v0;
	s8 =	sadd.s32 s7, s4;
	s7 =	sadd.s32 s7, s10;
	[tilespmem:$0x1FFD0] =	vst v2;
	v2 =	vor.u32 $0x120, v0  }
0x1e: {  	v28 =	vor.u32 $0x1B0, v0;
	v29 =	vor.u32 $0x1C0, v0;
	s4 =	sadd.s32 $0x1000, s8;
	s5 =	sadd.s32 $0x2000, s8;
	s8 =	ssub.s32 s9, s31;
	[tilespmem:$0x1FFE0] =	vst v2;
	v2 =	vor.u32 $0x130, v0  }
0x1f: {  	v30 =	vor.u32 $0x1D0, v0;
	v31 =	vor.u32 $0x1E0, v0;
	v32 =	vor.u32 $0x1F0, v0;
	s10 =	simm.s32 $0x8000;
	s9 =	simm.s32 $0x1;
	s8 =	smax.u32 s8, $0x1;
	[tilespmem:$0x1FFF0] =	vst v2  }
.LBB2_2:
0x20: {  	s14 =	simm.s32 $0x0  }
0x21: {  	[tilespmem:s14], [sflag:$0x1] =	stream.linear.gather [hbm4b:s7+s14], $0x8000, $0x38;
	[tilespmem:$0x1FE80] =	vst v63  }
0x22: {  	_ =	swait.ge [sflag:s9], $0x8000  }
0x23: {  	[sflag:s9] =	ssyncset.done $0x0  }
0x24: {  	[sflag:s9] =	ssyncadd.s32 $0xFFFF8000  }
0x25: {  	[tilespmem:s10], [sflag:$0x1] =	stream.linear.gather [hbm4b:s4+s14], $0x8000, $0x38;
	[tilespmem:$0x1FE80] =	vst v63  }
0x26: {  	_ =	swait.ge [sflag:s9], $0x8000  }
0x27: {  	[sflag:s9] =	ssyncset.done $0x0  }
0x28: {  	[sflag:s9] =	ssyncadd.s32 $0xFFFF8000  }
0x29: {  	[tilespmem:s11], [sflag:$0x1] =	stream.linear.gather [hbm4b:s5+s14], $0x8000, $0x38;
	[tilespmem:$0x1FE80] =	vst v63  }
0x2a: {  	_ =	swait.ge [sflag:s9], $0x8000  }
0x2b: {  	[sflag:s9] =	ssyncset.done $0x0  }
0x2c: {  	s15 =	simm.s32 $0x0;
	s14 =	simm.s32 $0x40;
	[sflag:s9] =	ssyncadd.s32 $0xFFFF8000  }
.LBB2_3:
0x2d: {  	p0 =	sne.s32 s14, $0x1F7C0;
	[tilespmem:s15+$0x18000] =	vst v1;
	s15 =	smov.u32 s14;
	s14 =	sadd.s32 $0x40, s14  }
.Ltmp1:
0x2e: {  	(pc) =	sbr.rel @p0 .LBB2_3-.Ltmp1, $2  }
0x2f: {  	_ =	sdelay $0x2  }
0x30: {  	s15 =	sshra.s32 s15, $0x2  }
0x31: {  	[tilespmem:s15+$0x18000] =	vst v1  }
0x32: {  	v2 =	vld [tilespmem:$0x0]  }
0x33: {  	v3 =	vld [tilespmem:$0x8000]  }
0x34: {  	v4 =	vld [tilespmem:$0x10000];
	_ =	sdelay $0x2  }
0x35: {  	(v2sf) =	vpush v2, $0x0  }
0x36: {  	(v2sf) =	vpush v3, $0x0  }
0x37: {  	(v2sf) =	vpush v4, $0x0;
	_ =	sdelay $0x4  }
0x38: {  	v33 =	vimm.f32 $1.000000000e+10;
	v34 =	vimm.f32 $1.000000000e+10  }
0x39: {  	v35 =	vimm.f32 $1.000000000e+10;
	v36 =	vimm.f32 $1.000000000e+10;
	v37 =	vimm.f32 $1.000000000e+10  }
0x3a: {  	v38 =	vimm.f32 $1.000000000e+10;
	v39 =	vimm.f32 $1.000000000e+10;
	v40 =	vimm.f32 $1.000000000e+10  }
0x3b: {  	v41 =	vimm.f32 $1.000000000e+10;
	v42 =	vimm.f32 $1.000000000e+10;
	v43 =	vimm.f32 $1.000000000e+10  }
0x3c: {  	v44 =	vimm.f32 $1.000000000e+10;
	v45 =	vimm.f32 $1.000000000e+10;
	v46 =	vimm.f32 $1.000000000e+10  }
0x3d: {  	v47 =	vimm.f32 $1.000000000e+10;
	v48 =	vimm.f32 $1.000000000e+10;
	v49 =	vimm.f32 $1.000000000e+10  }
0x3e: {  	v50 =	vimm.f32 $1.000000000e+10;
	v51 =	vimm.f32 $1.000000000e+10;
	v52 =	vimm.f32 $1.000000000e+10  }
0x3f: {  	v53 =	vimm.f32 $1.000000000e+10;
	v54 =	vimm.f32 $1.000000000e+10;
	v55 =	vimm.f32 $1.000000000e+10  }
0x40: {  	v56 =	vimm.f32 $1.000000000e+10;
	v57 =	vimm.f32 $1.000000000e+10;
	v58 =	vimm.f32 $1.000000000e+10;
	s17 =	spop (v2sf)  }
0x41: {  	v59 =	vimm.f32 $1.000000000e+10;
	v60 =	vimm.f32 $1.000000000e+10;
	v61 =	vimm.f32 $1.000000000e+10;
	s18 =	spop (v2sf)  }
0x42: {  	s16 =	simm.s32 $0x0;
	v62 =	vimm.f32 $1.000000000e+10;
	v63 =	vimm.f32 $1.000000000e+10;
	s14 =	simm.s32 $0x0;
	v2 =	vimm.f32 $1.000000000e+10;
	s19 =	spop (v2sf)  }
.LBB2_5:
0x43: {  	s15 =	sand.u32 $0x7, s14  }
0x44: {  	v3 =	vmov s15;
	_ =	sdelay $0x3  }
0x45: {  	v4 =	vmov s16  }
0x46: {  	[tilespmem:v3+s12+$0x0] =	vst.idx.msk $0x1, v4  }
0x47: {  	v5 =	vld [tilespmem:$0x0]  }
0x48: {  	v6 =	vld [tilespmem:$0x8000]  }
0x49: {  	v7 =	vld [tilespmem:$0x10]  }
0x4a: {  	v8 =	vld [tilespmem:$0x8010]  }
0x4b: {  	v9 =	vld [tilespmem:$0x10000]  }
0x4c: {  	v13 =	vld [tilespmem:$0x8020]  }
0x4d: {  	v10 =	vld [tilespmem:$0x10010]  }
0x4e: {  	v3 =	vmov s17;
	v4 =	vmov s18;
	v14 =	vld [tilespmem:$0x10020]  }
0x4f: {  	v12 =	vld [tilespmem:$0x20];
	v11 =	vsub.f32 v5, v3;
	v6 =	vsub.f32 v6, v4  }
0x50: {  	v15 =	vld [tilespmem:$0x30];
	v7 =	vsub.f32 v7, v3;
	v8 =	vsub.f32 v8, v4;
	v5 =	vmov s19  }
0x51: {  	v16 =	vld [tilespmem:$0x8030];
	v18 =	vsub.f32 v13, v4;
	v11 =	vmul.f32 v11, v11;
	v6 =	vmul.f32 v6, v6  }
0x52: {  	v9 =	vsub.f32 v9, v5;
	v7 =	vmul.f32 v7, v7;
	v8 =	vmul.f32 v8, v8  }
0x53: {  	v10 =	vsub.f32 v10, v5;
	v14 =	vsub.f32 v14, v5  }
0x54: {  	v13 =	vld [tilespmem:$0x40];
	v9 =	vmul.f32 v9, v9;
	v6 =	vadd.f32 v6, v11;
	v7 =	vadd.f32 v8, v7  }
0x55: {  	v10 =	vmul.f32 v10, v10;
	v8 =	vld [tilespmem:$0x10030];
	v11 =	vsub.f32 v12, v3;
	v12 =	vsub.f32 v15, v3  }
0x56: {  	v15 =	vsub.f32 v16, v4;
	v6 =	vadd.f32 v9, v6;
	v9 =	vld [tilespmem:$0x8040]  }
0x57: {  	v17 =	vld [tilespmem:$0x8050];
	v7 =	vadd.f32 v10, v7;
	v10 =	vmul.f32 v11, v11;
	v11 =	vmul.f32 v18, v18  }
0x58: {  	v14 =	vmul.f32 v14, v14;
	v16 =	vld [tilespmem:$0x10040]  }
0x59: {  	v12 =	vmul.f32 v12, v12;
	v15 =	vmul.f32 v15, v15;
	v10 =	vadd.f32 v11, v10;
	v11 =	vld [tilespmem:$0x50]  }
0x5a: {  	v2 =	vmin.f32 v2, v6;
	v6 =	vsub.f32 v13, v3;
	v13 =	vld [tilespmem:$0x60];
	v8 =	vsub.f32 v8, v5  }
0x5b: {  	v12 =	vadd.f32 v15, v12;
	v15 =	vld [tilespmem:$0x8060];
	v9 =	vsub.f32 v9, v4  }
0x5c: {  	v20 =	vld [tilespmem:$0x8080];
	v63 =	vmin.f32 v63, v7;
	v10 =	vadd.f32 v14, v10;
	v8 =	vmul.f32 v8, v8  }
0x5d: {  	v16 =	vsub.f32 v16, v5;
	v6 =	vmul.f32 v6, v6;
	v7 =	vmul.f32 v9, v9;
	v9 =	vld [tilespmem:$0x10050]  }
0x5e: {  	v62 =	vmin.f32 v62, v10;
	v8 =	vadd.f32 v8, v12;
	v12 =	vld [tilespmem:$0x10060];
	v10 =	vsub.f32 v11, v3  }
0x5f: {  	v16 =	vmul.f32 v16, v16;
	v11 =	vsub.f32 v17, v4;
	v17 =	vld [tilespmem:$0x8070];
	v13 =	vsub.f32 v13, v3  }
0x60: {  	v15 =	vsub.f32 v15, v4;
	v6 =	vadd.f32 v7, v6;
	v7 =	vld [tilespmem:$0x70];
	v10 =	vmul.f32 v10, v10  }
0x61: {  	v19 =	vld [tilespmem:$0x80];
	v11 =	vmul.f32 v11, v11;
	v13 =	vmul.f32 v13, v13  }
0x62: {  	v18 =	vld [tilespmem:$0x10070];
	v15 =	vmul.f32 v15, v15;
	v6 =	vadd.f32 v16, v6;
	v9 =	vsub.f32 v9, v5  }
0x63: {  	v61 =	vmin.f32 v61, v8;
	v10 =	vadd.f32 v11, v10;
	v11 =	vld [tilespmem:$0x10080];
	v12 =	vsub.f32 v12, v5  }
0x64: {  	v13 =	vadd.f32 v15, v13;
	v15 =	vld [tilespmem:$0x90];
	v8 =	vsub.f32 v17, v4;
	v9 =	vmul.f32 v9, v9  }
0x65: {  	v16 =	vld [tilespmem:$0x8090];
	v17 =	vsub.f32 v20, v4;
	v12 =	vmul.f32 v12, v12;
	v7 =	vsub.f32 v7, v3  }
0x66: {  	v60 =	vmin.f32 v60, v6;
	v8 =	vmul.f32 v8, v8;
	v6 =	vadd.f32 v9, v10;
	v10 =	vld [tilespmem:$0x10090]  }
0x67: {  	v9 =	vadd.f32 v12, v13;
	v12 =	vsub.f32 v18, v5;
	v7 =	vmul.f32 v7, v7;
	v13 =	vld [tilespmem:$0xA0]  }
0x68: {  	vm1 =	vgt.f32 v63, v2;
	v17 =	vmul.f32 v17, v17;
	v18 =	vld [tilespmem:$0x80A0];
	v59 =	vmin.f32 v59, v6  }
0x69: {  	v6 =	vsub.f32 v19, v3;
	v7 =	vadd.f32 v8, v7;
	v8 =	vmul.f32 v12, v12;
	v19 =	vld [tilespmem:$0xB0]  }
0x6a: {  	v11 =	vsub.f32 v11, v5;
	v15 =	vsub.f32 v15, v3;
	v58 =	vmin.f32 v58, v9;
	v9 =	vld [tilespmem:$0x80B0]  }
0x6b: {  	v6 =	vmul.f32 v6, v6;
	v7 =	vadd.f32 v8, v7;
	v8 =	vsub.f32 v16, v4  }
0x6c: {  	v11 =	vmul.f32 v11, v11;
	v15 =	vmul.f32 v15, v15;
	v13 =	vsub.f32 v13, v3  }
0x6d: {  	v12 =	vld [tilespmem:$0x100A0];
	v10 =	vsub.f32 v10, v5;
	v6 =	vadd.f32 v17, v6;
	v8 =	vmul.f32 v8, v8  }
0x6e: {  	v16 =	vld [tilespmem:$0x100B0];
	v17 =	vsub.f32 v18, v4;
	v57 =	vmin.f32 v57, v7;
	v13 =	vmul.f32 v13, v13  }
0x6f: {  	v18 =	vld [tilespmem:$0xC0];
	v7 =	vsub.f32 v19, v3;
	v9 =	vsub.f32 v9, v4;
	v10 =	vmul.f32 v10, v10  }
0x70: {  	v6 =	vadd.f32 v11, v6;
	v11 =	vld [tilespmem:$0x80C0];
	v8 =	vadd.f32 v8, v15;
	v15 =	vmul.f32 v17, v17  }
0x71: {  	v14 =	vsel vm1, v63, v2;
	v19 =	vld [tilespmem:$0xE0];
	v7 =	vmul.f32 v7, v7;
	v9 =	vmul.f32 v9, v9  }
0x72: {  	v17 =	vld [tilespmem:$0x100C0];
	v56 =	vmin.f32 v56, v6;
	v6 =	vsub.f32 v12, v5;
	v12 =	vadd.f32 v15, v13  }
0x73: {  	vm0 =	vgt.f32 v62, v14;
	v13 =	vld [tilespmem:$0xD0];
	v15 =	vsub.f32 v16, v5;
	v8 =	vadd.f32 v10, v8  }
0x74: {  	v14 =	vsel vm0, v62, v14;
	v16 =	vld [tilespmem:$0x80D0];
	v18 =	vsub.f32 v18, v3;
	v7 =	vadd.f32 v9, v7  }
0x75: {  	v6 =	vmul.f32 v6, v6;
	v9 =	vmul.f32 v15, v15;
	v15 =	vld [tilespmem:$0x80E0];
	v11 =	vsub.f32 v11, v4  }
0x76: {  	vm4 =	vgt.f32 v61, v14;
	v55 =	vmin.f32 v55, v8;
	v10 =	vmul.f32 v18, v18;
	v18 =	vld [tilespmem:$0x100D0]  }
0x77: {  	v6 =	vadd.f32 v6, v12;
	v7 =	vadd.f32 v9, v7;
	v9 =	vld [tilespmem:$0x100E0];
	v11 =	vmul.f32 v11, v11  }
0x78: {  	v12 =	vsel vm4, v61, v14;
	v14 =	vsub.f32 v17, v5;
	v8 =	vsub.f32 v13, v3  }
0x79: {  	v17 =	vld [tilespmem:$0x80F0];
	v54 =	vmin.f32 v54, v6;
	v10 =	vadd.f32 v11, v10;
	v11 =	vsub.f32 v16, v4  }
0x7a: {  	v6 =	vsub.f32 v19, v3;
	v14 =	vmul.f32 v14, v14;
	v19 =	vld [tilespmem:$0x10100];
	v13 =	vsub.f32 v15, v4  }
0x7b: {  	v15 =	vld [tilespmem:$0xF0];
	v8 =	vmul.f32 v8, v8;
	v16 =	vsub.f32 v18, v5;
	v11 =	vmul.f32 v11, v11  }
0x7c: {  	v6 =	vmul.f32 v6, v6;
	v18 =	vld [tilespmem:$0x100];
	v9 =	vsub.f32 v9, v5;
	v13 =	vmul.f32 v13, v13  }
0x7d: {  	vm2 =	vgt.f32 v60, v12;
	v10 =	vadd.f32 v14, v10;
	v8 =	vadd.f32 v11, v8;
	v11 =	vld [tilespmem:$0x8100]  }
0x7e: {  	v53 =	vmin.f32 v53, v7;
	v16 =	vmul.f32 v16, v16;
	v6 =	vadd.f32 v13, v6;
	v13 =	vld [tilespmem:$0x100F0]  }
0x7f: {  	v9 =	vmul.f32 v9, v9;
	v52 =	vmin.f32 v52, v10;
	v10 =	vsub.f32 v17, v4  }
0x80: {  	v7 =	vsel vm2, v60, v12;
	v12 =	vsub.f32 v19, v5;
	v8 =	vadd.f32 v16, v8  }
0x81: {  	v6 =	vadd.f32 v9, v6;
	v9 =	vsub.f32 v15, v3  }
0x82: {  	v14 =	vld [tilespmem:$0x110];
	v10 =	vmul.f32 v10, v10;
	v51 =	vmin.f32 v51, v8;
	v8 =	vsub.f32 v18, v3  }
0x83: {  	v19 =	vld [tilespmem:$0x8120];
	v9 =	vmul.f32 v9, v9;
	v11 =	vsub.f32 v11, v4;
	v13 =	vsub.f32 v13, v5  }
0x84: {  	v17 =	vld [tilespmem:$0x10110];
	v8 =	vmul.f32 v8, v8  }
0x85: {  	v15 =	vld [tilespmem:$0x8110];
	v9 =	vadd.f32 v10, v9;
	v11 =	vmul.f32 v11, v11;
	v10 =	vmul.f32 v13, v13  }
0x86: {  	v16 =	vld [tilespmem:$0x120];
	v50 =	vmin.f32 v50, v6  }
0x87: {  	v8 =	vadd.f32 v11, v8;
	v11 =	vmul.f32 v12, v12;
	v6 =	vadd.f32 v10, v9;
	v9 =	vld [tilespmem:$0x10120]  }
0x88: {  	v13 =	vsub.f32 v19, v4;
	v10 =	vld [tilespmem:$0x1FED0]  }
0x89: {  	v12 =	vsub.f32 v17, v5;
	v17 =	vld [tilespmem:$0x1FEE0];
	v8 =	vadd.f32 v11, v8  }
0x8a: {  	v49 =	vmin.f32 v49, v6;
	v6 =	vsub.f32 v14, v3;
	v11 =	vsub.f32 v15, v4  }
0x8b: {  	v13 =	vmul.f32 v13, v13;
	v14 =	vld [tilespmem:$0x130];
	v48 =	vmin.f32 v48, v8;
	v8 =	vsub.f32 v16, v3  }
0x8c: {  	v15 =	vld [tilespmem:$0x8130];
	v6 =	vmul.f32 v6, v6;
	v11 =	vmul.f32 v11, v11  }
0x8d: {  	v16 =	vld [tilespmem:$0x140];
	v10 =	vsel vm1, v10, v0;
	v9 =	vsub.f32 v9, v5;
	v8 =	vmul.f32 v8, v8  }
0x8e: {  	v6 =	vadd.f32 v11, v6;
	v11 =	vmul.f32 v12, v12;
	v10 =	vsel vm0, v17, v10;
	v17 =	vld [tilespmem:$0x1FEF0]  }
0x8f: {  	v12 =	vld [tilespmem:$0x8140]  }
0x90: {  	v9 =	vmul.f32 v9, v9;
	v8 =	vadd.f32 v13, v8;
	v13 =	vld [tilespmem:$0x10130];
	v6 =	vadd.f32 v11, v6  }
0x91: {  	v11 =	vld [tilespmem:$0x10140]  }
0x92: {  	v8 =	vadd.f32 v9, v8;
	v47 =	vmin.f32 v47, v6  }
0x93: {  	v6 =	vsub.f32 v14, v3;
	v9 =	vsub.f32 v15, v4;
	v14 =	vld [tilespmem:$0x150];
	v10 =	vsel vm4, v17, v10  }
0x94: {  	v12 =	vsub.f32 v12, v4;
	v17 =	vld [tilespmem:$0x1FF00];
	v46 =	vmin.f32 v46, v8;
	v8 =	vsub.f32 v16, v3  }
0x95: {  	v15 =	vld [tilespmem:$0x8150];
	v6 =	vmul.f32 v6, v6;
	v9 =	vmul.f32 v9, v9;
	v13 =	vsub.f32 v13, v5  }
0x96: {  	v16 =	vld [tilespmem:$0x160];
	v11 =	vsub.f32 v11, v5;
	v12 =	vmul.f32 v12, v12;
	v8 =	vmul.f32 v8, v8  }
0x97: {  	v6 =	vadd.f32 v9, v6;
	v9 =	vmul.f32 v13, v13;
	v13 =	vld [tilespmem:$0x8160]  }
0x98: {  	v11 =	vmul.f32 v11, v11;
	v8 =	vadd.f32 v12, v8;
	v12 =	vld [tilespmem:$0x10150]  }
0x99: {  	v10 =	vsel vm2, v17, v10;
	v17 =	vld [tilespmem:$0x1FF10]  }
0x9a: {  	v6 =	vadd.f32 v9, v6;
	v9 =	vld [tilespmem:$0x10160];
	v8 =	vadd.f32 v11, v8  }
0x9b: {  	vm5 =	vgt.f32 v59, v7;
	v11 =	vsub.f32 v15, v4  }
0x9c: {  	v15 =	vld [tilespmem:$0x8170];
	v45 =	vmin.f32 v45, v6;
	v6 =	vsub.f32 v14, v3;
	v44 =	vmin.f32 v44, v8  }
0x9d: {  	v14 =	vld [tilespmem:$0x170];
	v8 =	vsub.f32 v16, v3;
	v13 =	vsub.f32 v13, v4;
	v11 =	vmul.f32 v11, v11  }
0x9e: {  	v10 =	vsel vm5, v17, v10;
	v12 =	vsub.f32 v12, v5;
	v6 =	vmul.f32 v6, v6;
	v17 =	vld [tilespmem:$0x1FF20]  }
0x9f: {  	v16 =	vld [tilespmem:$0x180];
	v9 =	vsub.f32 v9, v5;
	v8 =	vmul.f32 v8, v8;
	v13 =	vmul.f32 v13, v13  }
0xa0: {  	v7 =	vsel vm5, v59, v7;
	v6 =	vadd.f32 v11, v6;
	v11 =	vmul.f32 v12, v12;
	v12 =	vld [tilespmem:$0x8180]  }
0xa1: {  	vm3 =	vgt.f32 v58, v7;
	v8 =	vadd.f32 v13, v8;
	v9 =	vmul.f32 v9, v9;
	v13 =	vld [tilespmem:$0x10170]  }
0xa2: {  	v7 =	vsel vm3, v58, v7;
	v6 =	vadd.f32 v11, v6;
	v11 =	vld [tilespmem:$0x10180]  }
0xa3: {  	vm6 =	vgt.f32 v57, v7;
	v10 =	vsel vm3, v17, v10;
	v17 =	vld [tilespmem:$0x1FF30];
	v8 =	vadd.f32 v9, v8  }
0xa4: {  	v7 =	vsel vm6, v57, v7;
	v9 =	vsub.f32 v15, v4  }
0xa5: {  	v43 =	vmin.f32 v43, v6;
	v6 =	vsub.f32 v14, v3;
	v42 =	vmin.f32 v42, v8  }
0xa6: {  	v15 =	vld [tilespmem:$0x8190];
	v8 =	vsub.f32 v16, v3;
	v12 =	vsub.f32 v12, v4;
	v9 =	vmul.f32 v9, v9  }
0xa7: {  	v16 =	vld [tilespmem:$0x1A0];
	v13 =	vsub.f32 v13, v5;
	v6 =	vmul.f32 v6, v6;
	v11 =	vsub.f32 v11, v5  }
0xa8: {  	v8 =	vmul.f32 v8, v8;
	v12 =	vmul.f32 v12, v12;
	v10 =	vsel vm6, v17, v10;
	v17 =	vld [tilespmem:$0x1FF40]  }
0xa9: {  	vm15 =	vgt.f32 v56, v7;
	v6 =	vadd.f32 v9, v6;
	v9 =	vmul.f32 v13, v13;
	v13 =	vld [tilespmem:$0x81A0]  }
0xaa: {  	v7 =	vsel vm15, v56, v7;
	v14 =	vld [tilespmem:$0x190];
	v8 =	vadd.f32 v12, v8;
	v11 =	vmul.f32 v11, v11  }
0xab: {  	vm7 =	vgt.f32 v55, v7;
	v6 =	vadd.f32 v9, v6;
	v9 =	vld [tilespmem:$0x101A0]  }
0xac: {  	v7 =	vsel vm7, v55, v7;
	v12 =	vld [tilespmem:$0x10190];
	v8 =	vadd.f32 v11, v8  }
0xad: {  	vm9 =	vgt.f32 v54, v7;
	v10 =	vsel vm15, v17, v10  }
0xae: {  	v17 =	vld [tilespmem:$0x1FF50];
	v40 =	vmin.f32 v40, v8;
	v8 =	vsub.f32 v16, v3;
	v13 =	vsub.f32 v13, v4  }
0xaf: {  	v11 =	vsub.f32 v15, v4;
	v41 =	vmin.f32 v41, v6;
	v6 =	vsub.f32 v14, v3  }
0xb0: {  	v9 =	vsub.f32 v9, v5;
	v8 =	vmul.f32 v8, v8;
	v13 =	vmul.f32 v13, v13  }
0xb1: {  	v7 =	vsel vm9, v54, v7;
	v15 =	vld [tilespmem:$0x81B0];
	v11 =	vmul.f32 v11, v11;
	v12 =	vsub.f32 v12, v5  }
0xb2: {  	v14 =	vld [tilespmem:$0x1B0];
	v6 =	vmul.f32 v6, v6;
	v8 =	vadd.f32 v13, v8;
	v9 =	vmul.f32 v9, v9  }
0xb3: {  	vm10 =	vgt.f32 v53, v7;
	v10 =	vsel vm7, v17, v10;
	v17 =	vld [tilespmem:$0x1FF60]  }
0xb4: {  	v6 =	vadd.f32 v11, v6;
	v11 =	vmul.f32 v12, v12;
	v8 =	vadd.f32 v9, v8;
	v9 =	vld [tilespmem:$0x1FF70]  }
0xb5: {  	v7 =	vsel vm10, v53, v7  }
0xb6: {  	vm11 =	vgt.f32 v52, v7;
	v13 =	vld [tilespmem:$0x101B0];
	v6 =	vadd.f32 v11, v6  }
0xb7: {  	v7 =	vsel vm11, v52, v7  }
0xb8: {  	vm12 =	vgt.f32 v51, v7;
	v39 =	vmin.f32 v39, v6;
	v10 =	vsel vm9, v17, v10  }
0xb9: {  	v6 =	vsub.f32 v14, v3;
	v9 =	vsel vm10, v9, v10;
	v10 =	vsub.f32 v15, v4  }
0xba: {  	v7 =	vsel vm12, v51, v7;
	v16 =	vld [tilespmem:$0x1C0]  }
0xbb: {  	v12 =	vld [tilespmem:$0x81C0];
	v13 =	vsub.f32 v13, v5;
	v6 =	vmul.f32 v6, v6;
	v10 =	vmul.f32 v10, v10  }
0xbc: {  	vm13 =	vgt.f32 v50, v7  }
0xbd: {  	v7 =	vsel vm13, v50, v7;
	v11 =	vld [tilespmem:$0x101C0];
	v6 =	vadd.f32 v10, v6;
	v10 =	vmul.f32 v13, v13  }
0xbe: {  	vm1 =	vgt.f32 v49, v7  }
0xbf: {  	v7 =	vsel vm1, v49, v7;
	v6 =	vadd.f32 v10, v6;
	v10 =	vld [tilespmem:$0x1FF80]  }
0xc0: {  	v38 =	vmin.f32 v38, v8;
	v8 =	vsub.f32 v16, v3;
	v12 =	vsub.f32 v12, v4  }
0xc1: {  	vm14 =	vgt.f32 v48, v7  }
0xc2: {  	v16 =	vld [tilespmem:$0x1E0];
	v11 =	vsub.f32 v11, v5;
	v8 =	vmul.f32 v8, v8;
	v12 =	vmul.f32 v12, v12  }
0xc3: {  	v7 =	vsel vm14, v48, v7;
	v17 =	vld [tilespmem:$0x81E0]  }
0xc4: {  	v8 =	vadd.f32 v12, v8;
	v11 =	vmul.f32 v11, v11;
	v9 =	vsel vm11, v10, v9;
	v10 =	vld [tilespmem:$0x1FF90]  }
0xc5: {  	vm15 =	vgt.f32 v47, v7  }
0xc6: {  	v7 =	vsel vm15, v47, v7;
	v8 =	vadd.f32 v11, v8;
	v11 =	vld [tilespmem:$0x101E0]  }
0xc7: {  	v18 =	vld [tilespmem:$0x1D0];
	vm9 =	vgt.f32 v46, v7  }
0xc8: {  	v19 =	vld [tilespmem:$0x81D0];
	v7 =	vsel vm9, v46, v7  }
0xc9: {  	v13 =	vsub.f32 v16, v3;
	v12 =	vsub.f32 v17, v4;
	v9 =	vsel vm12, v10, v9;
	v10 =	vld [tilespmem:$0x1FFA0]  }
0xca: {  	vm10 =	vgt.f32 v45, v7  }
0xcb: {  	v13 =	vmul.f32 v13, v13;
	v12 =	vmul.f32 v12, v12;
	v11 =	vsub.f32 v11, v5  }
0xcc: {  	v7 =	vsel vm10, v45, v7;
	v36 =	vmin.f32 v36, v8;
	v37 =	vmin.f32 v37, v6;
	v6 =	vld [tilespmem:$0x101D0]  }
0xcd: {  	v16 =	vld [tilespmem:$0x1FFD0];
	v8 =	vsub.f32 v18, v3;
	v12 =	vadd.f32 v12, v13;
	v11 =	vmul.f32 v11, v11  }
0xce: {  	v18 =	vld [tilespmem:$0x1FFB0];
	vm11 =	vgt.f32 v44, v7;
	v9 =	vsel vm13, v10, v9;
	v10 =	vsub.f32 v19, v4  }
0xcf: {  	v7 =	vsel vm11, v44, v7;
	v11 =	vadd.f32 v11, v12;
	v19 =	vld [tilespmem:$0x1FFC0]  }
0xd0: {  	s30 =	simm.s32 $0x8200;
	v8 =	vmul.f32 v8, v8;
	v13 =	vld [tilespmem:$0x81F0];
	vm12 =	vgt.f32 v43, v7;
	v10 =	vmul.f32 v10, v10  }
0xd1: {  	v6 =	vsub.f32 v6, v5;
	v34 =	vmin.f32 v34, v11;
	v11 =	vld [tilespmem:s30+$0x0];
	v7 =	vsel vm12, v43, v7  }
0xd2: {  	vm13 =	vgt.f32 v42, v7;
	v8 =	vadd.f32 v10, v8;
	v10 =	vld [tilespmem:$0x1F0]  }
0xd3: {  	v6 =	vmul.f32 v6, v6;
	v9 =	vsel vm1, v18, v9;
	v7 =	vsel vm13, v42, v7  }
0xd4: {  	v17 =	vld [tilespmem:$0x1FFE0];
	v9 =	vsel vm14, v19, v9;
	vm14 =	vgt.f32 v41, v7  }
0xd5: {  	v7 =	vsel vm14, v41, v7;
	v6 =	vadd.f32 v6, v8;
	v8 =	vld [tilespmem:$0x101F0]  }
0xd6: {  	v11 =	vsub.f32 v11, v4;
	v19 =	vld [tilespmem:$0x1FFF0];
	v9 =	vsel vm15, v16, v9;
	vm15 =	vgt.f32 v40, v7  }
0xd7: {  	s29 =	simm.s32 $0x200;
	v35 =	vmin.f32 v35, v6;
	v6 =	vsub.f32 v10, v3;
	v10 =	vsub.f32 v13, v4  }
0xd8: {  	v11 =	vmul.f32 v11, v11;
	v18 =	vld [tilespmem:s29+$0x0];
	v7 =	vsel vm15, v40, v7  }
0xd9: {  	vm8 =	vgt.f32 v39, v7;
	v6 =	vmul.f32 v6, v6;
	v10 =	vmul.f32 v10, v10  }
0xda: {  	s16 =	simm.s32 $0x10200;
	v9 =	vsel vm9, v17, v9;
	v7 =	vsel vm8, v39, v7;
	v8 =	vsub.f32 v8, v5  }
0xdb: {  	v9 =	vsel vm10, v19, v9;
	vm9 =	vgt.f32 v38, v7;
	v6 =	vadd.f32 v10, v6;
	v10 =	vld [tilespmem:s16+$0x0]  }
0xdc: {  	v9 =	vsel vm11, v21, v9;
	v7 =	vsel vm9, v38, v7;
	v8 =	vmul.f32 v8, v8  }
0xdd: {  	v12 =	vsub.f32 v18, v3;
	v9 =	vsel vm12, v22, v9;
	vm10 =	vgt.f32 v37, v7  }
0xde: {  	v9 =	vsel vm13, v23, v9;
	v7 =	vsel vm10, v37, v7;
	v6 =	vadd.f32 v8, v6  }
0xdf: {  	v8 =	vsel vm14, v24, v9;
	vm11 =	vgt.f32 v36, v7;
	v9 =	vmul.f32 v12, v12  }
0xe0: {  	s31 =	sand.u32 $0x7FF0, s29;
	v8 =	vsel vm15, v25, v8;
	v7 =	vsel vm11, v36, v7;
	v10 =	vsub.f32 v10, v5  }
0xe1: {  	v8 =	vsel vm8, v26, v8;
	vm12 =	vgt.f32 v35, v7;
	v9 =	vadd.f32 v11, v9;
	v11 =	vld [tilespmem:s31+$0x17E00]  }
0xe2: {  	v8 =	vsel vm9, v27, v8;
	v7 =	vsel vm12, v35, v7;
	v10 =	vmul.f32 v10, v10  }
0xe3: {  	v33 =	vmin.f32 v33, v6;
	v6 =	vsel vm10, v28, v8;
	vm13 =	vgt.f32 v34, v7  }
0xe4: {  	v6 =	vsel vm11, v29, v6;
	v7 =	vsel vm13, v34, v7;
	v8 =	vadd.f32 v10, v9  }
0xe5: {  	v6 =	vsel vm12, v30, v6;
	vm14 =	vgt.f32 v33, v7  }
0xe6: {  	v6 =	vsel vm13, v31, v6;
	v7 =	vsel vm14, v33, v7;
	v8 =	vmin.f32 v11, v8  }
0xe7: {  	s18 =	simm.s32 $0x210;
	v10 =	vor.u32 s29, v0;
	v9 =	vsel vm14, v32, v6;
	[tilespmem:s31+$0x17E00] =	vst v8;
	vm15 =	vgt.f32 v8, v7  }
0xe8: {  	s20 =	simm.s32 $0x210;
	s17 =	simm.s32 $0x8210;
	s19 =	simm.s32 $0x220;
	v6 =	vsel vm15, v8, v7;
	v7 =	vsel vm15, v10, v9;
	v8 =	vld [tilespmem:s18+$0x0]  }
.LBB2_6:
0xe9: {  	p0 =	sne.s32 s19, $0x7FF0;
	v9 =	vld [tilespmem:s17+$0x0]  }
0xea: {  	s16 =	sadd.s32 $0x10, s16  }
0xeb: {  	v10 =	vld [tilespmem:s16+$0x0];
	_ =	sdelay $0x2  }
0xec: {  	v8 =	vsub.f32 v8, v3;
	v9 =	vsub.f32 v9, v4;
	_ =	sdelay $0x1  }
0xed: {  	s21 =	sand.u32 $0x7FF0, s18;
	v8 =	vmul.f32 v8, v8;
	v10 =	vsub.f32 v10, v5;
	v9 =	vmul.f32 v9, v9  }
0xee: {  	v11 =	vld [tilespmem:s21+$0x17E00]  }
0xef: {  	v8 =	vadd.f32 v9, v8;
	v9 =	vmul.f32 v10, v10;
	_ =	sdelay $0x1  }
.Ltmp2:
0xf0: {  	v8 =	vadd.f32 v9, v8;
	(pc) =	sbr.rel @p0 .LBB2_6-.Ltmp2, $4  }
0xf1: {  	_ = 	snop  }
0xf2: {  	v9 =	vmin.f32 v11, v8  }
0xf3: {  	s20 =	sadd.s32 $0x10, s20;
	v10 =	vor.u32 s18, v0;
	s18 =	smov.u32 s19;
	[tilespmem:s21+$0x17E00] =	vst v9;
	vm0 =	vgt.f32 v9, v6  }
0xf4: {  	s17 =	sadd.s32 $0x10, s17;
	s19 =	sadd.s32 $0x10, s19;
	v8 =	vld [tilespmem:s20+$0x0];
	v6 =	vsel vm0, v9, v6;
	v7 =	vsel vm0, v10, v7  }
0xf5: {  	v9 =	vld [tilespmem:s17+$0x0]  }
0xf6: {  	s16 =	sadd.s32 $0x10, s16  }
0xf7: {  	v10 =	vld [tilespmem:s16+$0x0];
	_ =	sdelay $0x2  }
0xf8: {  	v3 =	vsub.f32 v8, v3;
	v4 =	vsub.f32 v9, v4;
	_ =	sdelay $0x1  }
0xf9: {  	s30 =	sand.u32 $0x7FF0, s18;
	v5 =	vsub.f32 v10, v5;
	v3 =	vmul.f32 v3, v3;
	v4 =	vmul.f32 v4, v4  }
0xfa: {  	v14 =	vld [tilespmem:s30+$0x17E00]  }
0xfb: {  	v15 =	vmul.f32 v5, v5;
	v3 =	vadd.f32 v4, v3;
	_ =	sdelay $0x1  }
0xfc: {  	v3 =	vadd.f32 v15, v3;
	_ =	sdelay $0x1  }
0xfd: {  	v3 =	vmin.f32 v14, v3  }
0xfe: {  	vm0 =	vgt.f32 v3, v6  }
0xff: {  	v16 =	vor.u32 s18, v0;
	v17 =	vsel vm0, v3, v6  }
0x100: {  	v4 =	vsel vm0, v16, v7;
	(v2sf) =	vpush v17, $0x0  }
0x101: {  	(v2sf) =	vpush v4, $0x0;
	_ =	sdelay $0x1  }
0x102: {  	(v2sf) =	vpush v17, $0x1  }
0x103: {  	(v2sf) =	vpush v4, $0x1;
	_ =	sdelay $0x4  }
0x104: {  	(v2sf) =	vpush v17, $0x2  }
0x105: {  	(v2sf) =	vpush v4, $0x2;
	_ =	sdelay $0x4  }
0x106: {  	s18 =	spop (v2sf);
	(v2sf) =	vpush v17, $0x3  }
0x107: {  	s16 =	spop (v2sf);
	(v2sf) =	vpush v4, $0x3;
	_ =	sdelay $0x1  }
0x108: {  	s19 =	spop (v2sf)  }
0x109: {  	s20 =	spop (v2sf);
	p0 =	seq.f32 s19, s18  }
0x10a: {  	p1 =	slt.s32 s20, s16  }
0x10b: {  	(v2sf) =	vpush v17, $0x4;
	p2 =	sgt.f32 s19, s18;
	p0 =	por !p0, !p1  }
0x10c: {  	p0 =	por !p0, !p0  }
0x10d: {  	p0 =	por p2, p0  }
0x10e: {  	(v2sf) =	vpush v4, $0x4;
	s18 =	smov.u32 @p0 s19;
	s19 =	spop (v2sf)  }
0x10f: {  	s16 =	smov.u32 @p0 s20;
	s20 =	spop (v2sf);
	p4 =	seq.f32 s19, s18  }
0x110: {  	p5 =	slt.s32 s20, s16  }
0x111: {  	p6 =	sgt.f32 s19, s18;
	p0 =	por !p4, !p5  }
0x112: {  	p0 =	por !p0, !p0  }
0x113: {  	(v2sf) =	vpush v17, $0x5;
	p0 =	por p6, p0  }
0x114: {  	(v2sf) =	vpush v4, $0x5;
	s18 =	smov.u32 @p0 s19;
	s19 =	spop (v2sf)  }
0x115: {  	s16 =	smov.u32 @p0 s20;
	s20 =	spop (v2sf);
	p1 =	seq.f32 s19, s18  }
0x116: {  	p2 =	slt.s32 s20, s16  }
0x117: {  	p3 =	sgt.f32 s19, s18;
	p0 =	por !p1, !p2  }
0x118: {  	p0 =	por !p0, !p0  }
0x119: {  	(v2sf) =	vpush v17, $0x6;
	p0 =	por p3, p0  }
0x11a: {  	s18 =	smov.u32 @p0 s19;
	s19 =	spop (v2sf);
	(v2sf) =	vpush v4, $0x6;
	_ =	sdelay $0x2  }
0x11b: {  	s16 =	smov.u32 @p0 s20;
	s20 =	spop (v2sf);
	p4 =	seq.f32 s19, s18  }
0x11c: {  	p5 =	slt.s32 s20, s16  }
0x11d: {  	p6 =	sgt.f32 s19, s18;
	(v2sf) =	vpush v17, $0x7;
	p0 =	por !p4, !p5  }
0x11e: {  	p0 =	por !p0, !p0  }
0x11f: {  	p0 =	por p6, p0  }
0x120: {  	s18 =	smov.u32 @p0 s19;
	s19 =	spop (v2sf);
	(v2sf) =	vpush v4, $0x7  }
0x121: {  	s16 =	smov.u32 @p0 s20;
	s20 =	spop (v2sf);
	p1 =	seq.f32 s19, s18  }
0x122: {  	p2 =	slt.s32 s20, s16  }
0x123: {  	p3 =	sgt.f32 s19, s18;
	p0 =	por !p1, !p2  }
0x124: {  	p0 =	por !p0, !p0  }
0x125: {  	(v2sf) =	vpush v17, $0x8;
	p0 =	por p3, p0  }
0x126: {  	s18 =	smov.u32 @p0 s19;
	s19 =	spop (v2sf);
	(v2sf) =	vpush v4, $0x8  }
0x127: {  	s16 =	smov.u32 @p0 s20;
	p4 =	seq.f32 s19, s18;
	s20 =	spop (v2sf)  }
0x128: {  	p5 =	slt.s32 s20, s16  }
0x129: {  	p6 =	sgt.f32 s19, s18;
	p0 =	por !p4, !p5  }
0x12a: {  	p0 =	por !p0, !p0  }
0x12b: {  	(v2sf) =	vpush v17, $0x9;
	p0 =	por p6, p0  }
0x12c: {  	s18 =	smov.u32 @p0 s19;
	s19 =	spop (v2sf);
	(v2sf) =	vpush v4, $0x9;
	_ =	sdelay $0x2  }
0x12d: {  	s16 =	smov.u32 @p0 s20;
	s20 =	spop (v2sf);
	p1 =	seq.f32 s19, s18  }
0x12e: {  	p2 =	slt.s32 s20, s16  }
0x12f: {  	p3 =	sgt.f32 s19, s18;
	(v2sf) =	vpush v17, $0xA;
	p0 =	por !p1, !p2  }
0x130: {  	p0 =	por !p0, !p0  }
0x131: {  	p0 =	por p3, p0  }
0x132: {  	s18 =	smov.u32 @p0 s19;
	s19 =	spop (v2sf);
	(v2sf) =	vpush v4, $0xA  }
0x133: {  	s16 =	smov.u32 @p0 s20;
	s20 =	spop (v2sf);
	p4 =	seq.f32 s19, s18  }
0x134: {  	p5 =	slt.s32 s20, s16  }
0x135: {  	p6 =	sgt.f32 s19, s18;
	p0 =	por !p4, !p5  }
0x136: {  	p0 =	por !p0, !p0  }
0x137: {  	(v2sf) =	vpush v17, $0xB;
	p0 =	por p6, p0  }
0x138: {  	s18 =	smov.u32 @p0 s19;
	s19 =	spop (v2sf);
	(v2sf) =	vpush v4, $0xB  }
0x139: {  	s16 =	smov.u32 @p0 s20;
	p1 =	seq.f32 s19, s18;
	s20 =	spop (v2sf)  }
0x13a: {  	p2 =	slt.s32 s20, s16  }
0x13b: {  	p3 =	sgt.f32 s19, s18;
	p0 =	por !p1, !p2  }
0x13c: {  	p0 =	por !p0, !p0  }
0x13d: {  	(v2sf) =	vpush v17, $0xC;
	p0 =	por p3, p0  }
0x13e: {  	s18 =	smov.u32 @p0 s19;
	s19 =	spop (v2sf);
	(v2sf) =	vpush v4, $0xC;
	_ =	sdelay $0x2  }
0x13f: {  	s16 =	smov.u32 @p0 s20;
	s20 =	spop (v2sf);
	p4 =	seq.f32 s19, s18  }
0x140: {  	p5 =	slt.s32 s20, s16  }
0x141: {  	p6 =	sgt.f32 s19, s18;
	(v2sf) =	vpush v17, $0xD;
	p0 =	por !p4, !p5  }
0x142: {  	(v2sf) =	vpush v4, $0xD;
	p0 =	por !p0, !p0  }
0x143: {  	p0 =	por p6, p0  }
0x144: {  	s18 =	smov.u32 @p0 s19;
	s19 =	spop (v2sf)  }
0x145: {  	s16 =	smov.u32 @p0 s20;
	s20 =	spop (v2sf);
	p1 =	seq.f32 s19, s18  }
0x146: {  	p2 =	slt.s32 s20, s16  }
0x147: {  	(v2sf) =	vpush v17, $0xE;
	p3 =	sgt.f32 s19, s18;
	p0 =	por !p1, !p2  }
0x148: {  	(v2sf) =	vpush v4, $0xE;
	p0 =	por !p0, !p0  }
0x149: {  	p0 =	por p3, p0  }
0x14a: {  	s18 =	smov.u32 @p0 s19;
	s19 =	spop (v2sf)  }
0x14b: {  	s16 =	smov.u32 @p0 s20;
	p4 =	seq.f32 s19, s18;
	s20 =	spop (v2sf)  }
0x14c: {  	(v2sf) =	vpush v17, $0xF;
	p5 =	slt.s32 s20, s16  }
0x14d: {  	p6 =	sgt.f32 s19, s18;
	(v2sf) =	vpush v4, $0xF;
	p0 =	por !p4, !p5  }
0x14e: {  	p0 =	por !p0, !p0  }
0x14f: {  	p0 =	por p6, p0  }
0x150: {  	s21 =	spop (v2sf);
	s18 =	smov.u32 @p0 s19  }
0x151: {  	s19 =	spop (v2sf);
	s16 =	smov.u32 @p0 s20;
	p1 =	seq.f32 s21, s18  }
0x152: {  	p2 =	slt.s32 s19, s16  }
0x153: {  	p3 =	sgt.f32 s21, s18;
	p0 =	por !p1, !p2  }
0x154: {  	p0 =	por !p0, !p0  }
0x155: {  	p0 =	por p3, p0  }
0x156: {  	s20 =	spop (v2sf);
	s18 =	smov.u32 @p0 s21  }
0x157: {  	s16 =	smov.u32 @p0 s19;
	s19 =	spop (v2sf);
	p4 =	seq.f32 s20, s18  }
0x158: {  	p5 =	slt.s32 s19, s16  }
0x159: {  	p6 =	sgt.f32 s20, s18;
	p0 =	por !p4, !p5  }
0x15a: {  	p0 =	por !p0, !p0  }
0x15b: {  	s31 =	spop (v2sf);
	p0 =	por p6, p0  }
0x15c: {  	s18 =	smov.u32 @p0 s20;
	s16 =	smov.u32 @p0 s19;
	s19 =	spop (v2sf)  }
0x15d: {  	p0 =	seq.f32 s31, s18;
	p1 =	slt.s32 s19, s16;
	s21 =	smov.u32 s16  }
0x15e: {  	p2 =	sgt.f32 s31, s18;
	s21 =	smov.u32 @p1 s19  }
0x15f: {  	s16 =	smov.u32 @p0 s21  }
0x160: {  	s16 =	smov.u32 @p2 s19  }
0x161: {  	v18 =	vmov s16;
	_ =	sdelay $0x3  }
0x162: {  	[tilespmem:s30+$0x17E00] =	vst v3  }
0x163: {  	v3 =	vld.idx.msk [tilespmem:v18+s2+$0x0], $0xffff  }
0x164: {  	v19 =	vld.idx.msk [tilespmem:v18+s10+$0x0], $0xffff  }
0x165: {  	v4 =	vld.idx.msk [tilespmem:v18+s11+$0x0], $0xffff;
	_ =	sdelay $0x2  }
0x166: {  	(v2sf) =	vpush v3, $0x0  }
0x167: {  	(v2sf) =	vpush v19, $0x0  }
0x168: {  	(v2sf) =	vpush v4, $0x0;
	_ =	sdelay $0x7  }
0x169: {  	p0 =	sne.s32 s15, $0x7  }
0x16a: {  	s15 =	sadd.s32 @!p0 s6, s14  }
0x16b: {  	s19 =	simm.s32 @!p0 $0x0;
	s15 =	sshrl.u32 @!p0 s15, $0x3  }
0x16c: {  	s20 =	simm.s32 @!p0 $0x1FE00;
	s14 =	sadd.s32 $0x1, s14;
	s15 =	sadd.s32 @!p0 s3, s15  }
0x16d: {  	[hbm4b:s15+s19] =	stream.linear.scatter @!p0 [tilespmem:s20], [sflag:$0x1], $0x8, $0x38;
	[tilespmem:$0x1FE80] =	vst v63  }
0x16e: {  	p1 =	sne.s32 s14, $0x200;
	s17 =	spop (v2sf)  }
.Ltmp3:
0x16f: {  	s18 =	spop (v2sf);
	(pc) =	sbr.rel @p1 .LBB2_5-.Ltmp3, $4  }
0x170: {  	s15 =	simm.s32 @!p0 $0x1;
	s19 =	spop (v2sf)  }
0x171: {  	_ =	swait.ge @!p0 [sflag:s15], $0x8  }
0x172: {  	[sflag:s15] =	ssyncset.done @!p0 $0x0  }
0x173: {  	[sflag:s15] =	ssyncadd.s32 @!p0 $0xFFFFFFF8  }
0x174: {  	s13 =	sadd.s32 $0x1, s13  }
0x175: {  	p0 =	sne.s32 s13, s8  }
.Ltmp4:
0x176: {  	_ = 	snop;
	(pc) =	sbr.rel @p0 .LBB2_2-.Ltmp4, $1  }
0x177: {  	_ =	sdelay $0x3  }
.LBB2_9:
0x178: {  	_ =	sfence.sel $0x180000  }
0x179: {  	[bflag:$0x0] =	sbarrier.arrive $0xFFFF  }
0x17a: {  	p0 =	sne.s32 s1, $0x0;
	_ =	strace $0x90000047  }
0x17b: {  	s0 =	sadd.s32 @!p0 $0x100000, s0;
	[bflag:$0x2] =	sbarrier.arrive $0xFFFF  }
0x17c: {  	[sflag:s0] =	ssyncadd.tile.s32 @!p0 $0x1;
	_ =	shalt  }
.Lfunc_end2:
_tile_overlayer_lowered:
.L_overlay_start_2:
0x17d: {  	(tag) =	ssettag $0x2  }
0x17e: {  	s0 =	rddreg [dreg:$0x0];
	s2 =	stileid.u32  }
0x17f: {  	s1 =	rddreg [dreg:$0x1];
	p0 =	sne.s32 s2, $0x0  }
0x180: {  	s3 =	rddreg [dreg:$0x2];
	[bflag:$0x3] =	sbarrier.arrive $0xFFFF;
	s2 =	simm.s32 @!p0 $0x1C01  }
0x181: {  	[timem:s3], [sflag:s2] =	dma.local @!p0 [hbm:s0], s1  }
0x182: {  	s0 =	simm.s32 @!p0 $0x1  }
0x183: {  	_ =	swait.ge @!p0 [sflag:s0], s1  }
0x184: {  	s1 =	ssub.s32 @!p0 $0x0, s1;
	[sflag:s0] =	ssyncset.done @!p0 $0x0  }
0x185: {  	[sflag:s0] =	ssyncadd.s32 @!p0 s1  }
0x186: {  	[bflag:$0x3] =	sbarrier.arrive $0xFFFF  }
0x187: {  	_ =	shalt  }

</sc_bundles>
